<compile_context>
chip_gen: v7x
topology: tpu7x:2x2x1
jax: 0.10.2.dev20260603
libtpu: 0.0.44.dev20260713+nightly
codegen_flags: <defaults>
</compile_context>

<pallas_src>
import functools

import jax
import jax.numpy as jnp
from jax import lax
from jax.experimental import pallas as pl
from jax.experimental.pallas import tpu as pltpu
from jax.experimental.pallas import tpu_sc as plsc

_LANES = 16
_TILES = 16
_DECAY = 0.99


def _make_sc_argmin(m):
    chunk = m // _TILES
    nvec = chunk // _LANES
    mesh = plsc.VectorSubcoreMesh(
        core_axis_name="c", subcore_axis_name="s", num_cores=1)

    @functools.partial(
        pl.kernel,
        out_type=[
            jax.ShapeDtypeStruct((m,), jnp.float32),
            jax.ShapeDtypeStruct((_LANES,), jnp.int32),
        ],
        mesh=mesh,
        scratch_types=[
            pltpu.VMEM((chunk,), jnp.float32),
            pltpu.VMEM((chunk,), jnp.float32),
            pltpu.VMEM((_LANES,), jnp.float32),
            pltpu.VMEM((_LANES,), jnp.int32),
            pltpu.VMEM_SHARED((_TILES * _LANES,), jnp.float32),
            pltpu.VMEM_SHARED((_TILES * _LANES,), jnp.int32),
            pltpu.VMEM((_TILES * _LANES,), jnp.float32),
            pltpu.VMEM((_TILES * _LANES,), jnp.int32),
            pltpu.VMEM((_LANES,), jnp.int32),
        ],
    )
    def sc_argmin(usage_hbm, new_usage_hbm, idx_hbm,
                  u_v, o_v, st_min, st_idx, sh_min, sh_idx,
                  gb_min, gb_idx, idx_v):
        wid = lax.axis_index("s")
        base = wid * chunk
        pltpu.sync_copy(usage_hbm.at[pl.ds(base, chunk)], u_v)
        lanes = lax.iota(jnp.int32, _LANES)

        def scan_body(i, carry):
            vmin, vidx = carry
            off = pl.multiple_of(i * _LANES, _LANES)
            v = u_v[pl.ds(off, _LANES)]
            ids = base + i * _LANES + lanes
            take = v < vmin
            return (jnp.where(take, v, vmin), jnp.where(take, ids, vidx))

        vmin, vidx = lax.fori_loop(
            0, nvec, scan_body,
            (jnp.full((_LANES,), jnp.inf, jnp.float32),
             jnp.zeros((_LANES,), jnp.int32)))

        st_min[...] = vmin
        st_idx[...] = vidx
        pltpu.sync_copy(st_min, sh_min.at[pl.ds(wid * _LANES, _LANES)])
        pltpu.sync_copy(st_idx, sh_idx.at[pl.ds(wid * _LANES, _LANES)])
        plsc.subcore_barrier()
        pltpu.sync_copy(sh_min, gb_min)
        pltpu.sync_copy(sh_idx, gb_idx)

        g_min = jnp.full((_LANES,), jnp.inf, jnp.float32)
        g_idx = jnp.zeros((_LANES,), jnp.int32)
        for j in range(_TILES):
            vj = gb_min[pl.ds(j * _LANES, _LANES)]
            ij = gb_idx[pl.ds(j * _LANES, _LANES)]
            take = vj < g_min
            g_min = jnp.where(take, vj, g_min)
            g_idx = jnp.where(take, ij, g_idx)

        bv = jnp.float32(jnp.inf)
        bi = jnp.int32(2**31 - 1)
        for j in range(_LANES):
            v = g_min[j]
            ix = g_idx[j]
            upd = (v < bv) | ((v == bv) & (ix < bi))
            bv = jnp.where(upd, v, bv)
            bi = jnp.where(upd, ix, bi)
        g_idx = jnp.full((_LANES,), bi, jnp.int32)

        def out_body(i, _):
            off = pl.multiple_of(i * _LANES, _LANES)
            u = u_v[pl.ds(off, _LANES)]
            ids = base + i * _LANES + lanes
            hit = ids == g_idx
            o_v[pl.ds(off, _LANES)] = jnp.where(
                hit, jnp.float32(_DECAY), u * jnp.float32(_DECAY))
            return 0

        lax.fori_loop(0, nvec, out_body, 0)
        pltpu.sync_copy(o_v, new_usage_hbm.at[pl.ds(base, chunk)])

        @pl.when(wid == 0)
        def _():
            idx_v[...] = g_idx
            pltpu.sync_copy(idx_v, idx_hbm)

    return sc_argmin


def _make_tc(bq, ks, vs, m, mb):
    grid = (m // mb,)

    def body(idx_ref, q_ref, k_ref, v_ref, uk_ref, uv_ref,
             read_ref, nk_ref, nv_ref):
        i = pl.program_id(0)
        r = idx_ref[0]
        q = q_ref[...]
        k = k_ref[...]
        v = v_ref[...]
        sims = lax.dot_general(q, k, (((1,), (1,)), ((), ())),
                               preferred_element_type=jnp.float32)
        w = 0.5 * jnp.tanh(sims * 0.5) + 0.5
        contrib = jnp.dot(w, v, preferred_element_type=jnp.float32)

        @pl.when(i == 0)
        def _():
            read_ref[...] = contrib

        @pl.when(i > 0)
        def _():
            read_ref[...] += contrib

        rows = i * mb + lax.broadcasted_iota(jnp.int32, (mb, 1), 0)
        hit = rows == r
        nk_ref[...] = jnp.where(hit, uk_ref[...], k)
        nv_ref[...] = jnp.where(hit, uv_ref[...], v)

    return pl.pallas_call(
        body,
        grid=grid,
        in_specs=[
            pl.BlockSpec(memory_space=pltpu.SMEM),
            pl.BlockSpec((bq, ks), lambda i: (0, 0)),
            pl.BlockSpec((mb, ks), lambda i: (i, 0)),
            pl.BlockSpec((mb, vs), lambda i: (i, 0)),
            pl.BlockSpec((1, ks), lambda i: (0, 0)),
            pl.BlockSpec((1, vs), lambda i: (0, 0)),
        ],
        out_specs=[
            pl.BlockSpec((bq, vs), lambda i: (0, 0)),
            pl.BlockSpec((mb, ks), lambda i: (i, 0)),
            pl.BlockSpec((mb, vs), lambda i: (i, 0)),
        ],
        out_shape=[
            jax.ShapeDtypeStruct((bq, vs), jnp.float32),
            jax.ShapeDtypeStruct((m, ks), jnp.float32),
            jax.ShapeDtypeStruct((m, vs), jnp.float32),
        ],
        compiler_params=pltpu.CompilerParams(
            dimension_semantics=("arbitrary",)),
    )


def kernel(query_key, upd_key, upd_value, mem_keys, mem_values, usage):
    m, ks = mem_keys.shape
    vs = mem_values.shape[1]
    bq = query_key.shape[0]

    new_usage, idx16 = _make_sc_argmin(m)(usage)
    read, new_keys, new_values = _make_tc(bq, ks, vs, m, 2048)(
        idx16, query_key, mem_keys, mem_values, upd_key, upd_value)
    return read, new_keys, new_values, new_usage

# --- scband reference (transcript-rebuilt; emitter-appended) ---
"""Pipeline reference for scband-kistmat-ai-86595130622628 (READ-ONLY COPY).

The authoritative reference and input builder live on the scoring server;
editing this copy changes nothing except your own understanding.
"""

import jax, jax.numpy as jnp
import numpy as np

M, KS, VS, B = 65536, 64, 128, 1024

def setup_inputs(seed: int = 0) -> dict:
    key = jax.random.key(seed)
    ks = jax.random.split(key, 6)
    return {
        "query_key": jax.random.normal(ks[0], (B, KS), dtype=jnp.float32),
        "upd_key": jax.random.normal(ks[1], (1, KS), dtype=jnp.float32),
        "upd_value": jax.random.normal(ks[2], (1, VS), dtype=jnp.float32),
        "mem_keys": jax.random.normal(ks[3], (M, KS), dtype=jnp.float32),
        "mem_values": jax.random.normal(ks[4], (M, VS), dtype=jnp.float32),
        "usage": jax.random.uniform(ks[5], (M,), dtype=jnp.float32),
    }

def reference(query_key, upd_key, upd_value, mem_keys, mem_values, usage):
    # ExternalMemory.query: sigmoid-gated full-memory content read
    sims = jnp.matmul(query_key, mem_keys.T)
    weights = jax.nn.sigmoid(sims)
    read = jnp.matmul(weights, mem_values)
    # ExternalMemory.update: least-used-slot scatter overwrite + usage decay
    idx = jnp.argmin(usage)
    new_keys = mem_keys.at[idx].set(upd_key[0])
    new_values = mem_values.at[idx].set(upd_value[0])
    new_usage = usage.at[idx].set(1.0) * 0.99
    return read, new_keys, new_values, new_usage

if __name__ == "__main__":
    import jax
    _d = setup_inputs()
    print(jax.jit(kernel)(*tuple(_d.values())))

</pallas_src>

<mosaic_0001>
#map = affine_map<(d0, d1) -> (0)>
module attributes {stable_mosaic.version = 14 : i64} {
  func.func @sc_argmin(%arg0: i32, %arg1: i32, %arg2: memref<65536xf32, #tpu.memory_space<hbm>>, %arg3: memref<65536xf32, #tpu.memory_space<hbm>>, %arg4: memref<16xi32, #tpu.memory_space<hbm>>, %arg5: memref<4096xf32, #tpu.memory_space<vmem>>, %arg6: memref<4096xf32, #tpu.memory_space<vmem>>, %arg7: memref<16xf32, #tpu.memory_space<vmem>>, %arg8: memref<16xi32, #tpu.memory_space<vmem>>, %arg9: memref<256xf32, #tpu.memory_space<vmem_shared>>, %arg10: memref<256xi32, #tpu.memory_space<vmem_shared>>, %arg11: memref<256xf32, #tpu.memory_space<vmem>>, %arg12: memref<256xi32, #tpu.memory_space<vmem>>, %arg13: memref<16xi32, #tpu.memory_space<vmem>>) attributes {dimension_semantics = [#tpu.dimension_semantics<core_parallel>, #tpu.dimension_semantics<subcore_parallel>], iteration_bounds = array<i64: 1, 16>, scalar_prefetch = 0 : i64, scratch_operands = 9 : i64, tpu.core_type = #tpu.core_type<sc_vector_subcore>, window_params = [{transform_indices = #map}, {transform_indices = #map}, {transform_indices = #map}]} {
    %mul3A = arith.constant 4096 : i32
    %mul3A_0 = arith.muli %arg1, %mul3A : i32
    "tpu.region"() ({
      %run_scoped3A = tpu.sem_alloc : memref<!tpu.dma_semaphore, #tpu.memory_space<semaphore_mem>>
      %dma_start3A = tpu.memref_slice %arg2[%mul3A_0] : memref<65536xf32, #tpu.memory_space<hbm>> -> memref<4096xf32, #tpu.memory_space<hbm>>
      %dma_start3A_351 = tpu.memref_slice %arg2[%mul3A_0] : memref<65536xf32, #tpu.memory_space<hbm>> -> memref<4096xf32, #tpu.memory_space<hbm>>
      tpu.enqueue_dma source(%dma_start3A_351 : memref<4096xf32, #tpu.memory_space<hbm>>) target(%arg5 : memref<4096xf32, #tpu.memory_space<vmem>>) target_semaphore(%run_scoped3A : memref<!tpu.dma_semaphore, #tpu.memory_space<semaphore_mem>>)
      %dma_wait3A = tpu.memref_slice %arg2[%mul3A_0] : memref<65536xf32, #tpu.memory_space<hbm>> -> memref<4096xf32, #tpu.memory_space<hbm>>
      %dma_wait3A_352 = tpu.memref_slice %arg2[%mul3A_0] : memref<65536xf32, #tpu.memory_space<hbm>> -> memref<4096xf32, #tpu.memory_space<hbm>>
      tpu.wait_dma2 semaphore(%run_scoped3A : memref<!tpu.dma_semaphore, #tpu.memory_space<semaphore_mem>>) src(%dma_wait3A_352 : memref<4096xf32, #tpu.memory_space<hbm>>) dst(%arg5 : memref<4096xf32, #tpu.memory_space<vmem>>)
      tpu.yield
    }) : () -> ()
    %iota3A = tpu.iota {dimensions = array<i32: 0>} : vector<16xi32>
    %broadcast_in_dim3A = arith.constant 0x7F800000 : f32
    %broadcast_in_dim3A_1 = vector.broadcast %broadcast_in_dim3A : f32 to vector<16xf32>
    %broadcast_in_dim3A_2 = arith.constant 0 : i32
    %broadcast_in_dim3A_3 = vector.broadcast %broadcast_in_dim3A_2 : i32 to vector<16xi32>
    %scan3A = arith.constant 0 : i32
    %scan3A_4 = arith.constant 256 : i32
    %scan3A_5 = arith.addi %scan3A, %scan3A_4 : i32
    %scan3A_6 = arith.constant 1 : i32
    %scan3A_7:2 = scf.for %scan3A_351 = %scan3A to %scan3A_5 step %scan3A_6 iter_args(%scan3A_352 = %broadcast_in_dim3A_1, %scan3A_353 = %broadcast_in_dim3A_3) -> (vector<16xf32>, vector<16xi32>)  : i32 {
      %mul3A_354 = arith.constant 16 : i32
      %mul3A_355 = arith.muli %scan3A_351, %mul3A_354 : i32
      %multiple_of3A = tpu.assume_multiple %mul3A_355, 16 : i32
      %get3A_356 = arith.index_cast %multiple_of3A : i32 to index
      %get3A_357 = tpu.vector_load %arg5[%get3A_356] {strides = array<i32>} : memref<4096xf32, #tpu.memory_space<vmem>>, vector<16xf32>,
      %get3A_358 = vector.shape_cast %get3A_357 : vector<16xf32> to vector<16xf32>
      %mul3A_359 = arith.constant 16 : i32
      %mul3A_360 = arith.muli %scan3A_351, %mul3A_359 : i32
      %add3A = arith.addi %mul3A_0, %mul3A_360 : i32
      %add3A_361 = vector.broadcast %add3A : i32 to vector<16xi32>
      %add3A_362 = arith.addi %add3A_361, %iota3A : vector<16xi32>
      %lt3A_363 = arith.cmpf olt, %get3A_358, %scan3A_352 : vector<16xf32>
      %select_n3A_364 = arith.select %lt3A_363, %get3A_358, %scan3A_352 : vector<16xi1>, vector<16xf32>
      %select_n3A_365 = arith.select %lt3A_363, %add3A_362, %scan3A_353 : vector<16xi1>, vector<16xi32>
      scf.yield %select_n3A_364, %select_n3A_365 : vector<16xf32>, vector<16xi32>
    }
    %scan3A_8 = arith.constant 256 : i32
    %swap3A = arith.constant 0 : index
    %swap3A_9 = tpu.vector_load %arg7[%swap3A] {strides = array<i32>} : memref<16xf32, #tpu.memory_space<vmem>>, vector<16xf32>,
    %swap3A_10 = vector.shape_cast %swap3A_9 : vector<16xf32> to vector<16xf32>
    %swap3A_11 = vector.shape_cast %scan3A_7#0 : vector<16xf32> to vector<16xf32>
    tpu.vector_store %arg7[%swap3A], %swap3A_11 {strides = array<i32>} : memref<16xf32, #tpu.memory_space<vmem>>, vector<16xf32>,
    %swap3A_12 = arith.constant 0 : index
    %swap3A_13 = tpu.vector_load %arg8[%swap3A_12] {strides = array<i32>} : memref<16xi32, #tpu.memory_space<vmem>>, vector<16xi32>,
    %swap3A_14 = vector.shape_cast %swap3A_13 : vector<16xi32> to vector<16xi32>
    %swap3A_15 = vector.shape_cast %scan3A_7#1 : vector<16xi32> to vector<16xi32>
    tpu.vector_store %arg8[%swap3A_12], %swap3A_15 {strides = array<i32>} : memref<16xi32, #tpu.memory_space<vmem>>, vector<16xi32>,
    %mul3A_16 = arith.constant 16 : i32
    %mul3A_17 = arith.muli %arg1, %mul3A_16 : i32
    "tpu.region"() ({
      %run_scoped3A = tpu.sem_alloc : memref<!tpu.dma_semaphore, #tpu.memory_space<semaphore_mem>>
      %dma_start3A = tpu.memref_slice %arg9[%mul3A_17] : memref<256xf32, #tpu.memory_space<vmem_shared>> -> memref<16xf32, #tpu.memory_space<vmem_shared>>
      %dma_start3A_351 = tpu.memref_slice %arg9[%mul3A_17] : memref<256xf32, #tpu.memory_space<vmem_shared>> -> memref<16xf32, #tpu.memory_space<vmem_shared>>
      tpu.enqueue_dma source(%arg7 : memref<16xf32, #tpu.memory_space<vmem>>) target(%dma_start3A_351 : memref<16xf32, #tpu.memory_space<vmem_shared>>) target_semaphore(%run_scoped3A : memref<!tpu.dma_semaphore, #tpu.memory_space<semaphore_mem>>)
      %dma_wait3A = tpu.memref_slice %arg9[%mul3A_17] : memref<256xf32, #tpu.memory_space<vmem_shared>> -> memref<16xf32, #tpu.memory_space<vmem_shared>>
      %dma_wait3A_352 = tpu.memref_slice %arg9[%mul3A_17] : memref<256xf32, #tpu.memory_space<vmem_shared>> -> memref<16xf32, #tpu.memory_space<vmem_shared>>
      tpu.wait_dma2 semaphore(%run_scoped3A : memref<!tpu.dma_semaphore, #tpu.memory_space<semaphore_mem>>) src(%arg7 : memref<16xf32, #tpu.memory_space<vmem>>) dst(%dma_wait3A_352 : memref<16xf32, #tpu.memory_space<vmem_shared>>)
      tpu.yield
    }) : () -> ()
    %mul3A_18 = arith.constant 16 : i32
    %mul3A_19 = arith.muli %arg1, %mul3A_18 : i32
    "tpu.region"() ({
      %run_scoped3A = tpu.sem_alloc : memref<!tpu.dma_semaphore, #tpu.memory_space<semaphore_mem>>
      %dma_start3A = tpu.memref_slice %arg10[%mul3A_19] : memref<256xi32, #tpu.memory_space<vmem_shared>> -> memref<16xi32, #tpu.memory_space<vmem_shared>>
      %dma_start3A_351 = tpu.memref_slice %arg10[%mul3A_19] : memref<256xi32, #tpu.memory_space<vmem_shared>> -> memref<16xi32, #tpu.memory_space<vmem_shared>>
      tpu.enqueue_dma source(%arg8 : memref<16xi32, #tpu.memory_space<vmem>>) target(%dma_start3A_351 : memref<16xi32, #tpu.memory_space<vmem_shared>>) target_semaphore(%run_scoped3A : memref<!tpu.dma_semaphore, #tpu.memory_space<semaphore_mem>>)
      %dma_wait3A = tpu.memref_slice %arg10[%mul3A_19] : memref<256xi32, #tpu.memory_space<vmem_shared>> -> memref<16xi32, #tpu.memory_space<vmem_shared>>
      %dma_wait3A_352 = tpu.memref_slice %arg10[%mul3A_19] : memref<256xi32, #tpu.memory_space<vmem_shared>> -> memref<16xi32, #tpu.memory_space<vmem_shared>>
      tpu.wait_dma2 semaphore(%run_scoped3A : memref<!tpu.dma_semaphore, #tpu.memory_space<semaphore_mem>>) src(%arg8 : memref<16xi32, #tpu.memory_space<vmem>>) dst(%dma_wait3A_352 : memref<16xi32, #tpu.memory_space<vmem_shared>>)
      tpu.yield
    }) : () -> ()
    %barrier3A = arith.constant 0 : index
    tpu.barrier barrier_id(%barrier3A)
    "tpu.region"() ({
      %run_scoped3A = tpu.sem_alloc : memref<!tpu.dma_semaphore, #tpu.memory_space<semaphore_mem>>
      tpu.enqueue_dma source(%arg9 : memref<256xf32, #tpu.memory_space<vmem_shared>>) target(%arg11 : memref<256xf32, #tpu.memory_space<vmem>>) target_semaphore(%run_scoped3A : memref<!tpu.dma_semaphore, #tpu.memory_space<semaphore_mem>>)
      tpu.wait_dma2 semaphore(%run_scoped3A : memref<!tpu.dma_semaphore, #tpu.memory_space<semaphore_mem>>) src(%arg9 : memref<256xf32, #tpu.memory_space<vmem_shared>>) dst(%arg11 : memref<256xf32, #tpu.memory_space<vmem>>)
      tpu.yield
    }) : () -> ()
    "tpu.region"() ({
      %run_scoped3A = tpu.sem_alloc : memref<!tpu.dma_semaphore, #tpu.memory_space<semaphore_mem>>
      tpu.enqueue_dma source(%arg10 : memref<256xi32, #tpu.memory_space<vmem_shared>>) target(%arg12 : memref<256xi32, #tpu.memory_space<vmem>>) target_semaphore(%run_scoped3A : memref<!tpu.dma_semaphore, #tpu.memory_space<semaphore_mem>>)
      tpu.wait_dma2 semaphore(%run_scoped3A : memref<!tpu.dma_semaphore, #tpu.memory_space<semaphore_mem>>) src(%arg10 : memref<256xi32, #tpu.memory_space<vmem_shared>>) dst(%arg12 : memref<256xi32, #tpu.memory_space<vmem>>)
      tpu.yield
    }) : () -> ()
    %broadcast_in_dim3A_20 = arith.constant 0x7F800000 : f32
    %broadcast_in_dim3A_21 = vector.broadcast %broadcast_in_dim3A_20 : f32 to vector<16xf32>
    %broadcast_in_dim3A_22 = arith.constant 0 : i32
    %broadcast_in_dim3A_23 = vector.broadcast %broadcast_in_dim3A_22 : i32 to vector<16xi32>
    %get3A = arith.constant 0 : index
    %get3A_24 = tpu.vector_load %arg11[%get3A] {strides = array<i32>} : memref<256xf32, #tpu.memory_space<vmem>>, vector<16xf32>,
    %get3A_25 = vector.shape_cast %get3A_24 : vector<16xf32> to vector<16xf32>
    %get3A_26 = arith.constant 0 : index
    %get3A_27 = tpu.vector_load %arg12[%get3A_26] {strides = array<i32>} : memref<256xi32, #tpu.memory_space<vmem>>, vector<16xi32>,
    %get3A_28 = vector.shape_cast %get3A_27 : vector<16xi32> to vector<16xi32>
    %lt3A = arith.cmpf olt, %get3A_25, %broadcast_in_dim3A_21 : vector<16xf32>
    %select_n3A = arith.select %lt3A, %get3A_25, %broadcast_in_dim3A_21 : vector<16xi1>, vector<16xf32>
    %select_n3A_29 = arith.select %lt3A, %get3A_28, %broadcast_in_dim3A_23 : vector<16xi1>, vector<16xi32>
    %get3A_30 = arith.constant 16 : index
    %get3A_31 = tpu.vector_load %arg11[%get3A_30] {strides = array<i32>} : memref<256xf32, #tpu.memory_space<vmem>>, vector<16xf32>,
    %get3A_32 = vector.shape_cast %get3A_31 : vector<16xf32> to vector<16xf32>
    %get3A_33 = arith.constant 16 : index
    %get3A_34 = tpu.vector_load %arg12[%get3A_33] {strides = array<i32>} : memref<256xi32, #tpu.memory_space<vmem>>, vector<16xi32>,
    %get3A_35 = vector.shape_cast %get3A_34 : vector<16xi32> to vector<16xi32>
    %lt3A_36 = arith.cmpf olt, %get3A_32, %select_n3A : vector<16xf32>
    %select_n3A_37 = arith.select %lt3A_36, %get3A_32, %select_n3A : vector<16xi1>, vector<16xf32>
    %select_n3A_38 = arith.select %lt3A_36, %get3A_35, %select_n3A_29 : vector<16xi1>, vector<16xi32>
    %get3A_39 = arith.constant 32 : index
    %get3A_40 = tpu.vector_load %arg11[%get3A_39] {strides = array<i32>} : memref<256xf32, #tpu.memory_space<vmem>>, vector<16xf32>,
    %get3A_41 = vector.shape_cast %get3A_40 : vector<16xf32> to vector<16xf32>
    %get3A_42 = arith.constant 32 : index
    %get3A_43 = tpu.vector_load %arg12[%get3A_42] {strides = array<i32>} : memref<256xi32, #tpu.memory_space<vmem>>, vector<16xi32>,
    %get3A_44 = vector.shape_cast %get3A_43 : vector<16xi32> to vector<16xi32>
    %lt3A_45 = arith.cmpf olt, %get3A_41, %select_n3A_37 : vector<16xf32>
    %select_n3A_46 = arith.select %lt3A_45, %get3A_41, %select_n3A_37 : vector<16xi1>, vector<16xf32>
    %select_n3A_47 = arith.select %lt3A_45, %get3A_44, %select_n3A_38 : vector<16xi1>, vector<16xi32>
    %get3A_48 = arith.constant 48 : index
    %get3A_49 = tpu.vector_load %arg11[%get3A_48] {strides = array<i32>} : memref<256xf32, #tpu.memory_space<vmem>>, vector<16xf32>,
    %get3A_50 = vector.shape_cast %get3A_49 : vector<16xf32> to vector<16xf32>
    %get3A_51 = arith.constant 48 : index
    %get3A_52 = tpu.vector_load %arg12[%get3A_51] {strides = array<i32>} : memref<256xi32, #tpu.memory_space<vmem>>, vector<16xi32>,
    %get3A_53 = vector.shape_cast %get3A_52 : vector<16xi32> to vector<16xi32>
    %lt3A_54 = arith.cmpf olt, %get3A_50, %select_n3A_46 : vector<16xf32>
    %select_n3A_55 = arith.select %lt3A_54, %get3A_50, %select_n3A_46 : vector<16xi1>, vector<16xf32>
    %select_n3A_56 = arith.select %lt3A_54, %get3A_53, %select_n3A_47 : vector<16xi1>, vector<16xi32>
    %get3A_57 = arith.constant 64 : index
    %get3A_58 = tpu.vector_load %arg11[%get3A_57] {strides = array<i32>} : memref<256xf32, #tpu.memory_space<vmem>>, vector<16xf32>,
    %get3A_59 = vector.shape_cast %get3A_58 : vector<16xf32> to vector<16xf32>
    %get3A_60 = arith.constant 64 : index
    %get3A_61 = tpu.vector_load %arg12[%get3A_60] {strides = array<i32>} : memref<256xi32, #tpu.memory_space<vmem>>, vector<16xi32>,
    %get3A_62 = vector.shape_cast %get3A_61 : vector<16xi32> to vector<16xi32>
    %lt3A_63 = arith.cmpf olt, %get3A_59, %select_n3A_55 : vector<16xf32>
    %select_n3A_64 = arith.select %lt3A_63, %get3A_59, %select_n3A_55 : vector<16xi1>, vector<16xf32>
    %select_n3A_65 = arith.select %lt3A_63, %get3A_62, %select_n3A_56 : vector<16xi1>, vector<16xi32>
    %get3A_66 = arith.constant 80 : index
    %get3A_67 = tpu.vector_load %arg11[%get3A_66] {strides = array<i32>} : memref<256xf32, #tpu.memory_space<vmem>>, vector<16xf32>,
    %get3A_68 = vector.shape_cast %get3A_67 : vector<16xf32> to vector<16xf32>
    %get3A_69 = arith.constant 80 : index
    %get3A_70 = tpu.vector_load %arg12[%get3A_69] {strides = array<i32>} : memref<256xi32, #tpu.memory_space<vmem>>, vector<16xi32>,
    %get3A_71 = vector.shape_cast %get3A_70 : vector<16xi32> to vector<16xi32>
    %lt3A_72 = arith.cmpf olt, %get3A_68, %select_n3A_64 : vector<16xf32>
    %select_n3A_73 = arith.select %lt3A_72, %get3A_68, %select_n3A_64 : vector<16xi1>, vector<16xf32>
    %select_n3A_74 = arith.select %lt3A_72, %get3A_71, %select_n3A_65 : vector<16xi1>, vector<16xi32>
    %get3A_75 = arith.constant 96 : index
    %get3A_76 = tpu.vector_load %arg11[%get3A_75] {strides = array<i32>} : memref<256xf32, #tpu.memory_space<vmem>>, vector<16xf32>,
    %get3A_77 = vector.shape_cast %get3A_76 : vector<16xf32> to vector<16xf32>
    %get3A_78 = arith.constant 96 : index
    %get3A_79 = tpu.vector_load %arg12[%get3A_78] {strides = array<i32>} : memref<256xi32, #tpu.memory_space<vmem>>, vector<16xi32>,
    %get3A_80 = vector.shape_cast %get3A_79 : vector<16xi32> to vector<16xi32>
    %lt3A_81 = arith.cmpf olt, %get3A_77, %select_n3A_73 : vector<16xf32>
    %select_n3A_82 = arith.select %lt3A_81, %get3A_77, %select_n3A_73 : vector<16xi1>, vector<16xf32>
    %select_n3A_83 = arith.select %lt3A_81, %get3A_80, %select_n3A_74 : vector<16xi1>, vector<16xi32>
    %get3A_84 = arith.constant 112 : index
    %get3A_85 = tpu.vector_load %arg11[%get3A_84] {strides = array<i32>} : memref<256xf32, #tpu.memory_space<vmem>>, vector<16xf32>,
    %get3A_86 = vector.shape_cast %get3A_85 : vector<16xf32> to vector<16xf32>
    %get3A_87 = arith.constant 112 : index
    %get3A_88 = tpu.vector_load %arg12[%get3A_87] {strides = array<i32>} : memref<256xi32, #tpu.memory_space<vmem>>, vector<16xi32>,
    %get3A_89 = vector.shape_cast %get3A_88 : vector<16xi32> to vector<16xi32>
    %lt3A_90 = arith.cmpf olt, %get3A_86, %select_n3A_82 : vector<16xf32>
    %select_n3A_91 = arith.select %lt3A_90, %get3A_86, %select_n3A_82 : vector<16xi1>, vector<16xf32>
    %select_n3A_92 = arith.select %lt3A_90, %get3A_89, %select_n3A_83 : vector<16xi1>, vector<16xi32>
    %get3A_93 = arith.constant 128 : index
    %get3A_94 = tpu.vector_load %arg11[%get3A_93] {strides = array<i32>} : memref<256xf32, #tpu.memory_space<vmem>>, vector<16xf32>,
    %get3A_95 = vector.shape_cast %get3A_94 : vector<16xf32> to vector<16xf32>
    %get3A_96 = arith.constant 128 : index
    %get3A_97 = tpu.vector_load %arg12[%get3A_96] {strides = array<i32>} : memref<256xi32, #tpu.memory_space<vmem>>, vector<16xi32>,
    %get3A_98 = vector.shape_cast %get3A_97 : vector<16xi32> to vector<16xi32>
    %lt3A_99 = arith.cmpf olt, %get3A_95, %select_n3A_91 : vector<16xf32>
    %select_n3A_100 = arith.select %lt3A_99, %get3A_95, %select_n3A_91 : vector<16xi1>, vector<16xf32>
    %select_n3A_101 = arith.select %lt3A_99, %get3A_98, %select_n3A_92 : vector<16xi1>, vector<16xi32>
    %get3A_102 = arith.constant 144 : index
    %get3A_103 = tpu.vector_load %arg11[%get3A_102] {strides = array<i32>} : memref<256xf32, #tpu.memory_space<vmem>>, vector<16xf32>,
    %get3A_104 = vector.shape_cast %get3A_103 : vector<16xf32> to vector<16xf32>
    %get3A_105 = arith.constant 144 : index
    %get3A_106 = tpu.vector_load %arg12[%get3A_105] {strides = array<i32>} : memref<256xi32, #tpu.memory_space<vmem>>, vector<16xi32>,
    %get3A_107 = vector.shape_cast %get3A_106 : vector<16xi32> to vector<16xi32>
    %lt3A_108 = arith.cmpf olt, %get3A_104, %select_n3A_100 : vector<16xf32>
    %select_n3A_109 = arith.select %lt3A_108, %get3A_104, %select_n3A_100 : vector<16xi1>, vector<16xf32>
    %select_n3A_110 = arith.select %lt3A_108, %get3A_107, %select_n3A_101 : vector<16xi1>, vector<16xi32>
    %get3A_111 = arith.constant 160 : index
    %get3A_112 = tpu.vector_load %arg11[%get3A_111] {strides = array<i32>} : memref<256xf32, #tpu.memory_space<vmem>>, vector<16xf32>,
    %get3A_113 = vector.shape_cast %get3A_112 : vector<16xf32> to vector<16xf32>
    %get3A_114 = arith.constant 160 : index
    %get3A_115 = tpu.vector_load %arg12[%get3A_114] {strides = array<i32>} : memref<256xi32, #tpu.memory_space<vmem>>, vector<16xi32>,
    %get3A_116 = vector.shape_cast %get3A_115 : vector<16xi32> to vector<16xi32>
    %lt3A_117 = arith.cmpf olt, %get3A_113, %select_n3A_109 : vector<16xf32>
    %select_n3A_118 = arith.select %lt3A_117, %get3A_113, %select_n3A_109 : vector<16xi1>, vector<16xf32>
    %select_n3A_119 = arith.select %lt3A_117, %get3A_116, %select_n3A_110 : vector<16xi1>, vector<16xi32>
    %get3A_120 = arith.constant 176 : index
    %get3A_121 = tpu.vector_load %arg11[%get3A_120] {strides = array<i32>} : memref<256xf32, #tpu.memory_space<vmem>>, vector<16xf32>,
    %get3A_122 = vector.shape_cast %get3A_121 : vector<16xf32> to vector<16xf32>
    %get3A_123 = arith.constant 176 : index
    %get3A_124 = tpu.vector_load %arg12[%get3A_123] {strides = array<i32>} : memref<256xi32, #tpu.memory_space<vmem>>, vector<16xi32>,
    %get3A_125 = vector.shape_cast %get3A_124 : vector<16xi32> to vector<16xi32>
    %lt3A_126 = arith.cmpf olt, %get3A_122, %select_n3A_118 : vector<16xf32>
    %select_n3A_127 = arith.select %lt3A_126, %get3A_122, %select_n3A_118 : vector<16xi1>, vector<16xf32>
    %select_n3A_128 = arith.select %lt3A_126, %get3A_125, %select_n3A_119 : vector<16xi1>, vector<16xi32>
    %get3A_129 = arith.constant 192 : index
    %get3A_130 = tpu.vector_load %arg11[%get3A_129] {strides = array<i32>} : memref<256xf32, #tpu.memory_space<vmem>>, vector<16xf32>,
    %get3A_131 = vector.shape_cast %get3A_130 : vector<16xf32> to vector<16xf32>
    %get3A_132 = arith.constant 192 : index
    %get3A_133 = tpu.vector_load %arg12[%get3A_132] {strides = array<i32>} : memref<256xi32, #tpu.memory_space<vmem>>, vector<16xi32>,
    %get3A_134 = vector.shape_cast %get3A_133 : vector<16xi32> to vector<16xi32>
    %lt3A_135 = arith.cmpf olt, %get3A_131, %select_n3A_127 : vector<16xf32>
    %select_n3A_136 = arith.select %lt3A_135, %get3A_131, %select_n3A_127 : vector<16xi1>, vector<16xf32>
    %select_n3A_137 = arith.select %lt3A_135, %get3A_134, %select_n3A_128 : vector<16xi1>, vector<16xi32>
    %get3A_138 = arith.constant 208 : index
    %get3A_139 = tpu.vector_load %arg11[%get3A_138] {strides = array<i32>} : memref<256xf32, #tpu.memory_space<vmem>>, vector<16xf32>,
    %get3A_140 = vector.shape_cast %get3A_139 : vector<16xf32> to vector<16xf32>
    %get3A_141 = arith.constant 208 : index
    %get3A_142 = tpu.vector_load %arg12[%get3A_141] {strides = array<i32>} : memref<256xi32, #tpu.memory_space<vmem>>, vector<16xi32>,
    %get3A_143 = vector.shape_cast %get3A_142 : vector<16xi32> to vector<16xi32>
    %lt3A_144 = arith.cmpf olt, %get3A_140, %select_n3A_136 : vector<16xf32>
    %select_n3A_145 = arith.select %lt3A_144, %get3A_140, %select_n3A_136 : vector<16xi1>, vector<16xf32>
    %select_n3A_146 = arith.select %lt3A_144, %get3A_143, %select_n3A_137 : vector<16xi1>, vector<16xi32>
    %get3A_147 = arith.constant 224 : index
    %get3A_148 = tpu.vector_load %arg11[%get3A_147] {strides = array<i32>} : memref<256xf32, #tpu.memory_space<vmem>>, vector<16xf32>,
    %get3A_149 = vector.shape_cast %get3A_148 : vector<16xf32> to vector<16xf32>
    %get3A_150 = arith.constant 224 : index
    %get3A_151 = tpu.vector_load %arg12[%get3A_150] {strides = array<i32>} : memref<256xi32, #tpu.memory_space<vmem>>, vector<16xi32>,
    %get3A_152 = vector.shape_cast %get3A_151 : vector<16xi32> to vector<16xi32>
    %lt3A_153 = arith.cmpf olt, %get3A_149, %select_n3A_145 : vector<16xf32>
    %select_n3A_154 = arith.select %lt3A_153, %get3A_149, %select_n3A_145 : vector<16xi1>, vector<16xf32>
    %select_n3A_155 = arith.select %lt3A_153, %get3A_152, %select_n3A_146 : vector<16xi1>, vector<16xi32>
    %get3A_156 = arith.constant 240 : index
    %get3A_157 = tpu.vector_load %arg11[%get3A_156] {strides = array<i32>} : memref<256xf32, #tpu.memory_space<vmem>>, vector<16xf32>,
    %get3A_158 = vector.shape_cast %get3A_157 : vector<16xf32> to vector<16xf32>
    %get3A_159 = arith.constant 240 : index
    %get3A_160 = tpu.vector_load %arg12[%get3A_159] {strides = array<i32>} : memref<256xi32, #tpu.memory_space<vmem>>, vector<16xi32>,
    %get3A_161 = vector.shape_cast %get3A_160 : vector<16xi32> to vector<16xi32>
    %lt3A_162 = arith.cmpf olt, %get3A_158, %select_n3A_154 : vector<16xf32>
    %select_n3A_163 = arith.select %lt3A_162, %get3A_158, %select_n3A_154 : vector<16xi1>, vector<16xf32>
    %select_n3A_164 = arith.select %lt3A_162, %get3A_161, %select_n3A_155 : vector<16xi1>, vector<16xi32>
    %slice3A = vector.extract_strided_slice %select_n3A_163 {offsets = [0], sizes = [1], strides = [1]} : vector<16xf32> to vector<1xf32>
    %squeeze3A = vector.extract %slice3A[0] : f32 from vector<1xf32>
    %slice3A_165 = vector.extract_strided_slice %select_n3A_164 {offsets = [0], sizes = [1], strides = [1]} : vector<16xi32> to vector<1xi32>
    %squeeze3A_166 = vector.extract %slice3A_165[0] : i32 from vector<1xi32>
    %lt3A_167 = arith.constant 0x7F800000 : f32
    %lt3A_168 = arith.cmpf olt, %squeeze3A, %lt3A_167 : f32
    %eq3A = arith.constant 0x7F800000 : f32
    %eq3A_169 = arith.cmpf oeq, %squeeze3A, %eq3A : f32
    %lt3A_170 = arith.constant 2147483647 : i32
    %lt3A_171 = arith.cmpi slt, %squeeze3A_166, %lt3A_170 : i32
    %and3A = arith.andi %eq3A_169, %lt3A_171 : i1
    %or3A = arith.ori %lt3A_168, %and3A : i1
    %jit3A = arith.constant 0x7F800000 : f32
    %select_n3A_172 = arith.select %or3A, %squeeze3A, %jit3A : f32
    %jit3A_173 = arith.constant 2147483647 : i32
    %select_n3A_174 = arith.select %or3A, %squeeze3A_166, %jit3A_173 : i32
    %slice3A_175 = vector.extract_strided_slice %select_n3A_163 {offsets = [1], sizes = [1], strides = [1]} : vector<16xf32> to vector<1xf32>
    %squeeze3A_176 = vector.extract %slice3A_175[0] : f32 from vector<1xf32>
    %slice3A_177 = vector.extract_strided_slice %select_n3A_164 {offsets = [1], sizes = [1], strides = [1]} : vector<16xi32> to vector<1xi32>
    %squeeze3A_178 = vector.extract %slice3A_177[0] : i32 from vector<1xi32>
    %lt3A_179 = arith.cmpf olt, %squeeze3A_176, %select_n3A_172 : f32
    %eq3A_180 = arith.cmpf oeq, %squeeze3A_176, %select_n3A_172 : f32
    %lt3A_181 = arith.cmpi slt, %squeeze3A_178, %select_n3A_174 : i32
    %and3A_182 = arith.andi %eq3A_180, %lt3A_181 : i1
    %or3A_183 = arith.ori %lt3A_179, %and3A_182 : i1
    %select_n3A_184 = arith.select %or3A_183, %squeeze3A_176, %select_n3A_172 : f32
    %select_n3A_185 = arith.select %or3A_183, %squeeze3A_178, %select_n3A_174 : i32
    %slice3A_186 = vector.extract_strided_slice %select_n3A_163 {offsets = [2], sizes = [1], strides = [1]} : vector<16xf32> to vector<1xf32>
    %squeeze3A_187 = vector.extract %slice3A_186[0] : f32 from vector<1xf32>
    %slice3A_188 = vector.extract_strided_slice %select_n3A_164 {offsets = [2], sizes = [1], strides = [1]} : vector<16xi32> to vector<1xi32>
    %squeeze3A_189 = vector.extract %slice3A_188[0] : i32 from vector<1xi32>
    %lt3A_190 = arith.cmpf olt, %squeeze3A_187, %select_n3A_184 : f32
    %eq3A_191 = arith.cmpf oeq, %squeeze3A_187, %select_n3A_184 : f32
    %lt3A_192 = arith.cmpi slt, %squeeze3A_189, %select_n3A_185 : i32
    %and3A_193 = arith.andi %eq3A_191, %lt3A_192 : i1
    %or3A_194 = arith.ori %lt3A_190, %and3A_193 : i1
    %select_n3A_195 = arith.select %or3A_194, %squeeze3A_187, %select_n3A_184 : f32
    %select_n3A_196 = arith.select %or3A_194, %squeeze3A_189, %select_n3A_185 : i32
    %slice3A_197 = vector.extract_strided_slice %select_n3A_163 {offsets = [3], sizes = [1], strides = [1]} : vector<16xf32> to vector<1xf32>
    %squeeze3A_198 = vector.extract %slice3A_197[0] : f32 from vector<1xf32>
    %slice3A_199 = vector.extract_strided_slice %select_n3A_164 {offsets = [3], sizes = [1], strides = [1]} : vector<16xi32> to vector<1xi32>
    %squeeze3A_200 = vector.extract %slice3A_199[0] : i32 from vector<1xi32>
    %lt3A_201 = arith.cmpf olt, %squeeze3A_198, %select_n3A_195 : f32
    %eq3A_202 = arith.cmpf oeq, %squeeze3A_198, %select_n3A_195 : f32
    %lt3A_203 = arith.cmpi slt, %squeeze3A_200, %select_n3A_196 : i32
    %and3A_204 = arith.andi %eq3A_202, %lt3A_203 : i1
    %or3A_205 = arith.ori %lt3A_201, %and3A_204 : i1
    %select_n3A_206 = arith.select %or3A_205, %squeeze3A_198, %select_n3A_195 : f32
    %select_n3A_207 = arith.select %or3A_205, %squeeze3A_200, %select_n3A_196 : i32
    %slice3A_208 = vector.extract_strided_slice %select_n3A_163 {offsets = [4], sizes = [1], strides = [1]} : vector<16xf32> to vector<1xf32>
    %squeeze3A_209 = vector.extract %slice3A_208[0] : f32 from vector<1xf32>
    %slice3A_210 = vector.extract_strided_slice %select_n3A_164 {offsets = [4], sizes = [1], strides = [1]} : vector<16xi32> to vector<1xi32>
    %squeeze3A_211 = vector.extract %slice3A_210[0] : i32 from vector<1xi32>
    %lt3A_212 = arith.cmpf olt, %squeeze3A_209, %select_n3A_206 : f32
    %eq3A_213 = arith.cmpf oeq, %squeeze3A_209, %select_n3A_206 : f32
    %lt3A_214 = arith.cmpi slt, %squeeze3A_211, %select_n3A_207 : i32
    %and3A_215 = arith.andi %eq3A_213, %lt3A_214 : i1
    %or3A_216 = arith.ori %lt3A_212, %and3A_215 : i1
    %select_n3A_217 = arith.select %or3A_216, %squeeze3A_209, %select_n3A_206 : f32
    %select_n3A_218 = arith.select %or3A_216, %squeeze3A_211, %select_n3A_207 : i32
    %slice3A_219 = vector.extract_strided_slice %select_n3A_163 {offsets = [5], sizes = [1], strides = [1]} : vector<16xf32> to vector<1xf32>
    %squeeze3A_220 = vector.extract %slice3A_219[0] : f32 from vector<1xf32>
    %slice3A_221 = vector.extract_strided_slice %select_n3A_164 {offsets = [5], sizes = [1], strides = [1]} : vector<16xi32> to vector<1xi32>
    %squeeze3A_222 = vector.extract %slice3A_221[0] : i32 from vector<1xi32>
    %lt3A_223 = arith.cmpf olt, %squeeze3A_220, %select_n3A_217 : f32
    %eq3A_224 = arith.cmpf oeq, %squeeze3A_220, %select_n3A_217 : f32
    %lt3A_225 = arith.cmpi slt, %squeeze3A_222, %select_n3A_218 : i32
    %and3A_226 = arith.andi %eq3A_224, %lt3A_225 : i1
    %or3A_227 = arith.ori %lt3A_223, %and3A_226 : i1
    %select_n3A_228 = arith.select %or3A_227, %squeeze3A_220, %select_n3A_217 : f32
    %select_n3A_229 = arith.select %or3A_227, %squeeze3A_222, %select_n3A_218 : i32
    %slice3A_230 = vector.extract_strided_slice %select_n3A_163 {offsets = [6], sizes = [1], strides = [1]} : vector<16xf32> to vector<1xf32>
    %squeeze3A_231 = vector.extract %slice3A_230[0] : f32 from vector<1xf32>
    %slice3A_232 = vector.extract_strided_slice %select_n3A_164 {offsets = [6], sizes = [1], strides = [1]} : vector<16xi32> to vector<1xi32>
    %squeeze3A_233 = vector.extract %slice3A_232[0] : i32 from vector<1xi32>
    %lt3A_234 = arith.cmpf olt, %squeeze3A_231, %select_n3A_228 : f32
    %eq3A_235 = arith.cmpf oeq, %squeeze3A_231, %select_n3A_228 : f32
    %lt3A_236 = arith.cmpi slt, %squeeze3A_233, %select_n3A_229 : i32
    %and3A_237 = arith.andi %eq3A_235, %lt3A_236 : i1
    %or3A_238 = arith.ori %lt3A_234, %and3A_237 : i1
    %select_n3A_239 = arith.select %or3A_238, %squeeze3A_231, %select_n3A_228 : f32
    %select_n3A_240 = arith.select %or3A_238, %squeeze3A_233, %select_n3A_229 : i32
    %slice3A_241 = vector.extract_strided_slice %select_n3A_163 {offsets = [7], sizes = [1], strides = [1]} : vector<16xf32> to vector<1xf32>
    %squeeze3A_242 = vector.extract %slice3A_241[0] : f32 from vector<1xf32>
    %slice3A_243 = vector.extract_strided_slice %select_n3A_164 {offsets = [7], sizes = [1], strides = [1]} : vector<16xi32> to vector<1xi32>
    %squeeze3A_244 = vector.extract %slice3A_243[0] : i32 from vector<1xi32>
    %lt3A_245 = arith.cmpf olt, %squeeze3A_242, %select_n3A_239 : f32
    %eq3A_246 = arith.cmpf oeq, %squeeze3A_242, %select_n3A_239 : f32
    %lt3A_247 = arith.cmpi slt, %squeeze3A_244, %select_n3A_240 : i32
    %and3A_248 = arith.andi %eq3A_246, %lt3A_247 : i1
    %or3A_249 = arith.ori %lt3A_245, %and3A_248 : i1
    %select_n3A_250 = arith.select %or3A_249, %squeeze3A_242, %select_n3A_239 : f32
    %select_n3A_251 = arith.select %or3A_249, %squeeze3A_244, %select_n3A_240 : i32
    %slice3A_252 = vector.extract_strided_slice %select_n3A_163 {offsets = [8], sizes = [1], strides = [1]} : vector<16xf32> to vector<1xf32>
    %squeeze3A_253 = vector.extract %slice3A_252[0] : f32 from vector<1xf32>
    %slice3A_254 = vector.extract_strided_slice %select_n3A_164 {offsets = [8], sizes = [1], strides = [1]} : vector<16xi32> to vector<1xi32>
    %squeeze3A_255 = vector.extract %slice3A_254[0] : i32 from vector<1xi32>
    %lt3A_256 = arith.cmpf olt, %squeeze3A_253, %select_n3A_250 : f32
    %eq3A_257 = arith.cmpf oeq, %squeeze3A_253, %select_n3A_250 : f32
    %lt3A_258 = arith.cmpi slt, %squeeze3A_255, %select_n3A_251 : i32
    %and3A_259 = arith.andi %eq3A_257, %lt3A_258 : i1
    %or3A_260 = arith.ori %lt3A_256, %and3A_259 : i1
    %select_n3A_261 = arith.select %or3A_260, %squeeze3A_253, %select_n3A_250 : f32
    %select_n3A_262 = arith.select %or3A_260, %squeeze3A_255, %select_n3A_251 : i32
    %slice3A_263 = vector.extract_strided_slice %select_n3A_163 {offsets = [9], sizes = [1], strides = [1]} : vector<16xf32> to vector<1xf32>
    %squeeze3A_264 = vector.extract %slice3A_263[0] : f32 from vector<1xf32>
    %slice3A_265 = vector.extract_strided_slice %select_n3A_164 {offsets = [9], sizes = [1], strides = [1]} : vector<16xi32> to vector<1xi32>
    %squeeze3A_266 = vector.extract %slice3A_265[0] : i32 from vector<1xi32>
    %lt3A_267 = arith.cmpf olt, %squeeze3A_264, %select_n3A_261 : f32
    %eq3A_268 = arith.cmpf oeq, %squeeze3A_264, %select_n3A_261 : f32
    %lt3A_269 = arith.cmpi slt, %squeeze3A_266, %select_n3A_262 : i32
    %and3A_270 = arith.andi %eq3A_268, %lt3A_269 : i1
    %or3A_271 = arith.ori %lt3A_267, %and3A_270 : i1
    %select_n3A_272 = arith.select %or3A_271, %squeeze3A_264, %select_n3A_261 : f32
    %select_n3A_273 = arith.select %or3A_271, %squeeze3A_266, %select_n3A_262 : i32
    %slice3A_274 = vector.extract_strided_slice %select_n3A_163 {offsets = [10], sizes = [1], strides = [1]} : vector<16xf32> to vector<1xf32>
    %squeeze3A_275 = vector.extract %slice3A_274[0] : f32 from vector<1xf32>
    %slice3A_276 = vector.extract_strided_slice %select_n3A_164 {offsets = [10], sizes = [1], strides = [1]} : vector<16xi32> to vector<1xi32>
    %squeeze3A_277 = vector.extract %slice3A_276[0] : i32 from vector<1xi32>
    %lt3A_278 = arith.cmpf olt, %squeeze3A_275, %select_n3A_272 : f32
    %eq3A_279 = arith.cmpf oeq, %squeeze3A_275, %select_n3A_272 : f32
    %lt3A_280 = arith.cmpi slt, %squeeze3A_277, %select_n3A_273 : i32
    %and3A_281 = arith.andi %eq3A_279, %lt3A_280 : i1
    %or3A_282 = arith.ori %lt3A_278, %and3A_281 : i1
    %select_n3A_283 = arith.select %or3A_282, %squeeze3A_275, %select_n3A_272 : f32
    %select_n3A_284 = arith.select %or3A_282, %squeeze3A_277, %select_n3A_273 : i32
    %slice3A_285 = vector.extract_strided_slice %select_n3A_163 {offsets = [11], sizes = [1], strides = [1]} : vector<16xf32> to vector<1xf32>
    %squeeze3A_286 = vector.extract %slice3A_285[0] : f32 from vector<1xf32>
    %slice3A_287 = vector.extract_strided_slice %select_n3A_164 {offsets = [11], sizes = [1], strides = [1]} : vector<16xi32> to vector<1xi32>
    %squeeze3A_288 = vector.extract %slice3A_287[0] : i32 from vector<1xi32>
    %lt3A_289 = arith.cmpf olt, %squeeze3A_286, %select_n3A_283 : f32
    %eq3A_290 = arith.cmpf oeq, %squeeze3A_286, %select_n3A_283 : f32
    %lt3A_291 = arith.cmpi slt, %squeeze3A_288, %select_n3A_284 : i32
    %and3A_292 = arith.andi %eq3A_290, %lt3A_291 : i1
    %or3A_293 = arith.ori %lt3A_289, %and3A_292 : i1
    %select_n3A_294 = arith.select %or3A_293, %squeeze3A_286, %select_n3A_283 : f32
    %select_n3A_295 = arith.select %or3A_293, %squeeze3A_288, %select_n3A_284 : i32
    %slice3A_296 = vector.extract_strided_slice %select_n3A_163 {offsets = [12], sizes = [1], strides = [1]} : vector<16xf32> to vector<1xf32>
    %squeeze3A_297 = vector.extract %slice3A_296[0] : f32 from vector<1xf32>
    %slice3A_298 = vector.extract_strided_slice %select_n3A_164 {offsets = [12], sizes = [1], strides = [1]} : vector<16xi32> to vector<1xi32>
    %squeeze3A_299 = vector.extract %slice3A_298[0] : i32 from vector<1xi32>
    %lt3A_300 = arith.cmpf olt, %squeeze3A_297, %select_n3A_294 : f32
    %eq3A_301 = arith.cmpf oeq, %squeeze3A_297, %select_n3A_294 : f32
    %lt3A_302 = arith.cmpi slt, %squeeze3A_299, %select_n3A_295 : i32
    %and3A_303 = arith.andi %eq3A_301, %lt3A_302 : i1
    %or3A_304 = arith.ori %lt3A_300, %and3A_303 : i1
    %select_n3A_305 = arith.select %or3A_304, %squeeze3A_297, %select_n3A_294 : f32
    %select_n3A_306 = arith.select %or3A_304, %squeeze3A_299, %select_n3A_295 : i32
    %slice3A_307 = vector.extract_strided_slice %select_n3A_163 {offsets = [13], sizes = [1], strides = [1]} : vector<16xf32> to vector<1xf32>
    %squeeze3A_308 = vector.extract %slice3A_307[0] : f32 from vector<1xf32>
    %slice3A_309 = vector.extract_strided_slice %select_n3A_164 {offsets = [13], sizes = [1], strides = [1]} : vector<16xi32> to vector<1xi32>
    %squeeze3A_310 = vector.extract %slice3A_309[0] : i32 from vector<1xi32>
    %lt3A_311 = arith.cmpf olt, %squeeze3A_308, %select_n3A_305 : f32
    %eq3A_312 = arith.cmpf oeq, %squeeze3A_308, %select_n3A_305 : f32
    %lt3A_313 = arith.cmpi slt, %squeeze3A_310, %select_n3A_306 : i32
    %and3A_314 = arith.andi %eq3A_312, %lt3A_313 : i1
    %or3A_315 = arith.ori %lt3A_311, %and3A_314 : i1
    %select_n3A_316 = arith.select %or3A_315, %squeeze3A_308, %select_n3A_305 : f32
    %select_n3A_317 = arith.select %or3A_315, %squeeze3A_310, %select_n3A_306 : i32
    %slice3A_318 = vector.extract_strided_slice %select_n3A_163 {offsets = [14], sizes = [1], strides = [1]} : vector<16xf32> to vector<1xf32>
    %squeeze3A_319 = vector.extract %slice3A_318[0] : f32 from vector<1xf32>
    %slice3A_320 = vector.extract_strided_slice %select_n3A_164 {offsets = [14], sizes = [1], strides = [1]} : vector<16xi32> to vector<1xi32>
    %squeeze3A_321 = vector.extract %slice3A_320[0] : i32 from vector<1xi32>
    %lt3A_322 = arith.cmpf olt, %squeeze3A_319, %select_n3A_316 : f32
    %eq3A_323 = arith.cmpf oeq, %squeeze3A_319, %select_n3A_316 : f32
    %lt3A_324 = arith.cmpi slt, %squeeze3A_321, %select_n3A_317 : i32
    %and3A_325 = arith.andi %eq3A_323, %lt3A_324 : i1
    %or3A_326 = arith.ori %lt3A_322, %and3A_325 : i1
    %select_n3A_327 = arith.select %or3A_326, %squeeze3A_319, %select_n3A_316 : f32
    %select_n3A_328 = arith.select %or3A_326, %squeeze3A_321, %select_n3A_317 : i32
    %slice3A_329 = vector.extract_strided_slice %select_n3A_163 {offsets = [15], sizes = [1], strides = [1]} : vector<16xf32> to vector<1xf32>
    %squeeze3A_330 = vector.extract %slice3A_329[0] : f32 from vector<1xf32>
    %slice3A_331 = vector.extract_strided_slice %select_n3A_164 {offsets = [15], sizes = [1], strides = [1]} : vector<16xi32> to vector<1xi32>
    %squeeze3A_332 = vector.extract %slice3A_331[0] : i32 from vector<1xi32>
    %lt3A_333 = arith.cmpf olt, %squeeze3A_330, %select_n3A_327 : f32
    %eq3A_334 = arith.cmpf oeq, %squeeze3A_330, %select_n3A_327 : f32
    %lt3A_335 = arith.cmpi slt, %squeeze3A_332, %select_n3A_328 : i32
    %and3A_336 = arith.andi %eq3A_334, %lt3A_335 : i1
    %or3A_337 = arith.ori %lt3A_333, %and3A_336 : i1
    %select_n3A_338 = arith.select %or3A_337, %squeeze3A_330, %select_n3A_327 : f32
    %select_n3A_339 = arith.select %or3A_337, %squeeze3A_332, %select_n3A_328 : i32
    %broadcast_in_dim3A_340 = vector.broadcast %select_n3A_339 : i32 to vector<16xi32>
    %scan3A_341 = arith.constant 0 : i32
    %scan3A_342 = arith.constant 0 : i32
    %scan3A_343 = arith.constant 256 : i32
    %scan3A_344 = arith.addi %scan3A_342, %scan3A_343 : i32
    %scan3A_345 = arith.constant 1 : i32
    %scan3A_346 = scf.for %scan3A_351 = %scan3A_342 to %scan3A_344 step %scan3A_345 iter_args(%scan3A_352 = %scan3A_341) -> (i32)  : i32 {
      %mul3A_353 = arith.constant 16 : i32
      %mul3A_354 = arith.muli %scan3A_351, %mul3A_353 : i32
      %multiple_of3A = tpu.assume_multiple %mul3A_354, 16 : i32
      %get3A_355 = arith.index_cast %multiple_of3A : i32 to index
      %get3A_356 = tpu.vector_load %arg5[%get3A_355] {strides = array<i32>} : memref<4096xf32, #tpu.memory_space<vmem>>, vector<16xf32>,
      %get3A_357 = vector.shape_cast %get3A_356 : vector<16xf32> to vector<16xf32>
      %mul3A_358 = arith.constant 16 : i32
      %mul3A_359 = arith.muli %scan3A_351, %mul3A_358 : i32
      %add3A = arith.addi %mul3A_0, %mul3A_359 : i32
      %add3A_360 = vector.broadcast %add3A : i32 to vector<16xi32>
      %add3A_361 = arith.addi %add3A_360, %iota3A : vector<16xi32>
      %eq3A_362 = arith.cmpi eq, %add3A_361, %broadcast_in_dim3A_340 : vector<16xi32>
      %mul3A_363 = arith.constant 9.900000e-01 : f32
      %mul3A_364 = vector.broadcast %mul3A_363 : f32 to vector<16xf32>
      %mul3A_365 = arith.mulf %get3A_357, %mul3A_364 : vector<16xf32>
      %jit3A_366 = arith.constant 9.900000e-01 : f32
      %broadcast_in_dim3A_367 = vector.broadcast %jit3A_366 : f32 to vector<16xf32>
      %select_n3A_368 = arith.select %eq3A_362, %broadcast_in_dim3A_367, %mul3A_365 : vector<16xi1>, vector<16xf32>
      %swap3A_369 = arith.index_cast %multiple_of3A : i32 to index
      %swap3A_370 = tpu.vector_load %arg6[%swap3A_369] {strides = array<i32>} : memref<4096xf32, #tpu.memory_space<vmem>>, vector<16xf32>,
      %swap3A_371 = vector.shape_cast %swap3A_370 : vector<16xf32> to vector<16xf32>
      %swap3A_372 = vector.shape_cast %select_n3A_368 : vector<16xf32> to vector<16xf32>
      tpu.vector_store %arg6[%swap3A_369], %swap3A_372 {strides = array<i32>} : memref<4096xf32, #tpu.memory_space<vmem>>, vector<16xf32>,
      %scan3A_373 = arith.constant 0 : i32
      scf.yield %scan3A_373 : i32
    }
    %scan3A_347 = arith.constant 256 : i32
    "tpu.region"() ({
      %run_scoped3A = tpu.sem_alloc : memref<!tpu.dma_semaphore, #tpu.memory_space<semaphore_mem>>
      %dma_start3A = tpu.memref_slice %arg3[%mul3A_0] : memref<65536xf32, #tpu.memory_space<hbm>> -> memref<4096xf32, #tpu.memory_space<hbm>>
      %dma_start3A_351 = tpu.memref_slice %arg3[%mul3A_0] : memref<65536xf32, #tpu.memory_space<hbm>> -> memref<4096xf32, #tpu.memory_space<hbm>>
      tpu.enqueue_dma source(%arg6 : memref<4096xf32, #tpu.memory_space<vmem>>) target(%dma_start3A_351 : memref<4096xf32, #tpu.memory_space<hbm>>) target_semaphore(%run_scoped3A : memref<!tpu.dma_semaphore, #tpu.memory_space<semaphore_mem>>)
      %dma_wait3A = tpu.memref_slice %arg3[%mul3A_0] : memref<65536xf32, #tpu.memory_space<hbm>> -> memref<4096xf32, #tpu.memory_space<hbm>>
      %dma_wait3A_352 = tpu.memref_slice %arg3[%mul3A_0] : memref<65536xf32, #tpu.memory_space<hbm>> -> memref<4096xf32, #tpu.memory_space<hbm>>
      tpu.wait_dma2 semaphore(%run_scoped3A : memref<!tpu.dma_semaphore, #tpu.memory_space<semaphore_mem>>) src(%arg6 : memref<4096xf32, #tpu.memory_space<vmem>>) dst(%dma_wait3A_352 : memref<4096xf32, #tpu.memory_space<hbm>>)
      tpu.yield
    }) : () -> ()
    %eq3A_348 = arith.constant 0 : i32
    %eq3A_349 = arith.cmpi eq, %arg1, %eq3A_348 : i32
    %convert_element_type3A = arith.extui %eq3A_349 : i1 to i32
    %cond3A = arith.constant 0 : i32
    %cond3A_350 = arith.cmpi ne, %convert_element_type3A, %cond3A : i32
    scf.if %cond3A_350 {
      %swap3A_351 = arith.constant 0 : index
      %swap3A_352 = tpu.vector_load %arg13[%swap3A_351] {strides = array<i32>} : memref<16xi32, #tpu.memory_space<vmem>>, vector<16xi32>,
      %swap3A_353 = vector.shape_cast %swap3A_352 : vector<16xi32> to vector<16xi32>
      %swap3A_354 = vector.shape_cast %broadcast_in_dim3A_340 : vector<16xi32> to vector<16xi32>
      tpu.vector_store %arg13[%swap3A_351], %swap3A_354 {strides = array<i32>} : memref<16xi32, #tpu.memory_space<vmem>>, vector<16xi32>,
      "tpu.region"() ({
        %run_scoped3A = tpu.sem_alloc : memref<!tpu.dma_semaphore, #tpu.memory_space<semaphore_mem>>
        tpu.enqueue_dma source(%arg13 : memref<16xi32, #tpu.memory_space<vmem>>) target(%arg4 : memref<16xi32, #tpu.memory_space<hbm>>) target_semaphore(%run_scoped3A : memref<!tpu.dma_semaphore, #tpu.memory_space<semaphore_mem>>)
        tpu.wait_dma2 semaphore(%run_scoped3A : memref<!tpu.dma_semaphore, #tpu.memory_space<semaphore_mem>>) src(%arg13 : memref<16xi32, #tpu.memory_space<vmem>>) dst(%arg4 : memref<16xi32, #tpu.memory_space<hbm>>)
        tpu.yield
      }) : () -> ()
    } else {
    }
    return
  }
}

module attributes {stable_mosaic.version = 14 : i64} {
  func.func @body(%arg0: i32, %arg1: memref<16xi32, #tpu.memory_space<smem>>, %arg2: memref<1024x64xf32, #tpu.memory_space<vmem>>, %arg3: memref<2048x64xf32, #tpu.memory_space<vmem>>, %arg4: memref<2048x128xf32, #tpu.memory_space<vmem>>, %arg5: memref<1x64xf32, #tpu.memory_space<vmem>>, %arg6: memref<1x128xf32, #tpu.memory_space<vmem>>, %arg7: memref<1024x128xf32, #tpu.memory_space<vmem>>, %arg8: memref<2048x64xf32, #tpu.memory_space<vmem>>, %arg9: memref<2048x128xf32, #tpu.memory_space<vmem>>) attributes {dimension_semantics = [#tpu.dimension_semantics<arbitrary>], iteration_bounds = array<i64: 32>, scalar_prefetch = 0 : i64, scratch_operands = 0 : i64, tpu.core_type = #tpu.core_type<tc>, window_params = [{transform_indices = @transform_0, window_bounds = array<i64: 16>}, {pipeline_mode = #tpu.pipeline_mode<synchronous>, transform_indices = @transform_1, window_bounds = array<i64: 1024, 64>}, {transform_indices = @transform_2, window_bounds = array<i64: 2048, 64>}, {transform_indices = @transform_3, window_bounds = array<i64: 2048, 128>}, {pipeline_mode = #tpu.pipeline_mode<synchronous>, transform_indices = @transform_4, window_bounds = array<i64: 1, 64>}, {pipeline_mode = #tpu.pipeline_mode<synchronous>, transform_indices = @transform_5, window_bounds = array<i64: 1, 128>}, {pipeline_mode = #tpu.pipeline_mode<synchronous>, transform_indices = @transform_6, window_bounds = array<i64: 1024, 128>}, {transform_indices = @transform_7, window_bounds = array<i64: 2048, 64>}, {transform_indices = @transform_8, window_bounds = array<i64: 2048, 128>}]} {
    %get3A = arith.constant 0 : index
    %get3A_0 = memref.load %arg1[%get3A] : memref<16xi32, #tpu.memory_space<smem>>
    %get3A_1 = arith.constant 0 : index
    %get3A_2 = arith.constant 0 : index
    %get3A_3 = vector.load %arg2[%get3A_1, %get3A_2] : memref<1024x64xf32, #tpu.memory_space<vmem>>, vector<1024x64xf32>
    %get3A_4 = arith.constant 0 : index
    %get3A_5 = arith.constant 0 : index
    %get3A_6 = vector.load %arg3[%get3A_4, %get3A_5] : memref<2048x64xf32, #tpu.memory_space<vmem>>, vector<2048x64xf32>
    %get3A_7 = arith.constant 0 : index
    %get3A_8 = arith.constant 0 : index
    %get3A_9 = vector.load %arg4[%get3A_7, %get3A_8] : memref<2048x128xf32, #tpu.memory_space<vmem>>, vector<2048x128xf32>
    %dot_general3A = arith.constant dense<0.000000e+00> : vector<1024x2048xf32>
    %dot_general3A_10 = tpu.matmul %get3A_3, %get3A_6, %dot_general3A {dimension_numbers = #tpu.dot_dimension_numbers<[1], [1], [0], [0], [0, 0, 1, 0], [], []>, transpose_lhs_hint = false} : vector<1024x64xf32>, vector<2048x64xf32>, vector<1024x2048xf32> -> vector<1024x2048xf32>
    %mul3A = arith.constant 5.000000e-01 : f32
    %mul3A_11 = vector.broadcast %mul3A : f32 to vector<1024x2048xf32>
    %mul3A_12 = arith.mulf %dot_general3A_10, %mul3A_11 : vector<1024x2048xf32>
    %tanh3A = math.tanh %mul3A_12 : vector<1024x2048xf32>
    %mul3A_13 = arith.constant 5.000000e-01 : f32
    %mul3A_14 = vector.broadcast %mul3A_13 : f32 to vector<1024x2048xf32>
    %mul3A_15 = arith.mulf %mul3A_14, %tanh3A : vector<1024x2048xf32>
    %add3A = arith.constant 5.000000e-01 : f32
    %add3A_16 = vector.broadcast %add3A : f32 to vector<1024x2048xf32>
    %add3A_17 = arith.addf %mul3A_15, %add3A_16 : vector<1024x2048xf32>
    %dot_general3A_18 = arith.constant dense<0.000000e+00> : vector<1024x128xf32>
    %dot_general3A_19 = tpu.matmul %add3A_17, %get3A_9, %dot_general3A_18 {dimension_numbers = #tpu.dot_dimension_numbers<[1], [0], [0], [1], [0, 0, 1, 1], [], []>, transpose_lhs_hint = false} : vector<1024x2048xf32>, vector<2048x128xf32>, vector<1024x128xf32> -> vector<1024x128xf32>
    %eq3A = arith.constant 0 : i32
    %eq3A_20 = arith.cmpi eq, %arg0, %eq3A : i32
    %convert_element_type3A = arith.extui %eq3A_20 : i1 to i32
    %cond3A = arith.constant 0 : i32
    %cond3A_21 = arith.cmpi ne, %convert_element_type3A, %cond3A : i32
    scf.if %cond3A_21 {
      %swap3A_51 = arith.constant 0 : index
      %swap3A_52 = arith.constant 0 : index
      %swap3A_53 = vector.load %arg7[%swap3A_51, %swap3A_52] : memref<1024x128xf32, #tpu.memory_space<vmem>>, vector<1024x128xf32>
      tpu.vector_store %arg7[%swap3A_51, %swap3A_52], %dot_general3A_19 {strides = array<i32>} : memref<1024x128xf32, #tpu.memory_space<vmem>>, vector<1024x128xf32>,
    } else {
    }
    %gt3A = arith.constant 0 : i32
    %gt3A_22 = arith.cmpi sgt, %arg0, %gt3A : i32
    %convert_element_type3A_23 = arith.extui %gt3A_22 : i1 to i32
    %cond3A_24 = arith.constant 0 : i32
    %cond3A_25 = arith.cmpi ne, %convert_element_type3A_23, %cond3A_24 : i32
    scf.if %cond3A_25 {
      %get3A_51 = arith.constant 0 : index
      %get3A_52 = arith.constant 0 : index
      %get3A_53 = vector.load %arg7[%get3A_51, %get3A_52] : memref<1024x128xf32, #tpu.memory_space<vmem>>, vector<1024x128xf32>
      %add3A_54 = arith.addf %get3A_53, %dot_general3A_19 : vector<1024x128xf32>
      %swap3A_55 = arith.constant 0 : index
      %swap3A_56 = arith.constant 0 : index
      %swap3A_57 = vector.load %arg7[%swap3A_55, %swap3A_56] : memref<1024x128xf32, #tpu.memory_space<vmem>>, vector<1024x128xf32>
      tpu.vector_store %arg7[%swap3A_55, %swap3A_56], %add3A_54 {strides = array<i32>} : memref<1024x128xf32, #tpu.memory_space<vmem>>, vector<1024x128xf32>,
    } else {
    }
    %mul3A_26 = arith.constant 2048 : i32
    %mul3A_27 = arith.muli %arg0, %mul3A_26 : i32
    %iota3A = tpu.iota {dimensions = array<i32: 0>} : vector<2048x1xi32>
    %add3A_28 = vector.broadcast %mul3A_27 : i32 to vector<2048x1xi32>
    %add3A_29 = arith.addi %add3A_28, %iota3A : vector<2048x1xi32>
    %eq3A_30 = vector.broadcast %get3A_0 : i32 to vector<2048x1xi32>
    %eq3A_31 = arith.cmpi eq, %add3A_29, %eq3A_30 : vector<2048x1xi32>
    %get3A_32 = arith.constant 0 : index
    %get3A_33 = arith.constant 0 : index
    %get3A_34 = vector.load %arg5[%get3A_32, %get3A_33] : memref<1x64xf32, #tpu.memory_space<vmem>>, vector<1x64xf32>
    %broadcast_in_dim3A = vector.shape_cast %eq3A_31 : vector<2048x1xi1> to vector<2048x1xi1>
    %broadcast_in_dim3A_35 = vector.broadcast %broadcast_in_dim3A : vector<2048x1xi1> to vector<2048x64xi1>
    %broadcast_in_dim3A_36 = vector.shape_cast %get3A_34 : vector<1x64xf32> to vector<1x64xf32>
    %broadcast_in_dim3A_37 = vector.broadcast %broadcast_in_dim3A_36 : vector<1x64xf32> to vector<2048x64xf32>
    %select_n3A = arith.select %broadcast_in_dim3A_35, %broadcast_in_dim3A_37, %get3A_6 : vector<2048x64xi1>, vector<2048x64xf32>
    %swap3A = arith.constant 0 : index
    %swap3A_38 = arith.constant 0 : index
    %swap3A_39 = vector.load %arg8[%swap3A, %swap3A_38] : memref<2048x64xf32, #tpu.memory_space<vmem>>, vector<2048x64xf32>
    tpu.vector_store %arg8[%swap3A, %swap3A_38], %select_n3A {strides = array<i32>} : memref<2048x64xf32, #tpu.memory_space<vmem>>, vector<2048x64xf32>,
    %get3A_40 = arith.constant 0 : index
    %get3A_41 = arith.constant 0 : index
    %get3A_42 = vector.load %arg6[%get3A_40, %get3A_41] : memref<1x128xf32, #tpu.memory_space<vmem>>, vector<1x128xf32>
    %broadcast_in_dim3A_43 = vector.shape_cast %eq3A_31 : vector<2048x1xi1> to vector<2048x1xi1>
    %broadcast_in_dim3A_44 = vector.broadcast %broadcast_in_dim3A_43 : vector<2048x1xi1> to vector<2048x128xi1>
    %broadcast_in_dim3A_45 = vector.shape_cast %get3A_42 : vector<1x128xf32> to vector<1x128xf32>
    %broadcast_in_dim3A_46 = vector.broadcast %broadcast_in_dim3A_45 : vector<1x128xf32> to vector<2048x128xf32>
    %select_n3A_47 = arith.select %broadcast_in_dim3A_44, %broadcast_in_dim3A_46, %get3A_9 : vector<2048x128xi1>, vector<2048x128xf32>
    %swap3A_48 = arith.constant 0 : index
    %swap3A_49 = arith.constant 0 : index
    %swap3A_50 = vector.load %arg9[%swap3A_48, %swap3A_49] : memref<2048x128xf32, #tpu.memory_space<vmem>>, vector<2048x128xf32>
    tpu.vector_store %arg9[%swap3A_48, %swap3A_49], %select_n3A_47 {strides = array<i32>} : memref<2048x128xf32, #tpu.memory_space<vmem>>, vector<2048x128xf32>,
    return
  }
  func.func @transform_0(%arg0: i32) -> i32 {
    %c0_i32 = arith.constant 0 : i32
    %c0_i32_0 = arith.constant 0 : i32
    return %c0_i32 : i32
  }
  func.func @transform_1(%arg0: i32) -> (i32, i32) {
    %c0_i32 = arith.constant 0 : i32
    %c0_i32_0 = arith.constant 0 : i32
    %c0_i32_1 = arith.constant 0 : i32
    return %c0_i32, %c0_i32_0 : i32, i32
  }
  func.func @transform_2(%arg0: i32) -> (i32, i32) {
    %c0_i32 = arith.constant 0 : i32
    %c0_i32_0 = arith.constant 0 : i32
    return %arg0, %c0_i32 : i32, i32
  }
  func.func @transform_3(%arg0: i32) -> (i32, i32) {
    %c0_i32 = arith.constant 0 : i32
    %c0_i32_0 = arith.constant 0 : i32
    return %arg0, %c0_i32 : i32, i32
  }
  func.func @transform_4(%arg0: i32) -> (i32, i32) {
    %c0_i32 = arith.constant 0 : i32
    %c0_i32_0 = arith.constant 0 : i32
    %c0_i32_1 = arith.constant 0 : i32
    return %c0_i32, %c0_i32_0 : i32, i32
  }
  func.func @transform_5(%arg0: i32) -> (i32, i32) {
    %c0_i32 = arith.constant 0 : i32
    %c0_i32_0 = arith.constant 0 : i32
    %c0_i32_1 = arith.constant 0 : i32
    return %c0_i32, %c0_i32_0 : i32, i32
  }
  func.func @transform_6(%arg0: i32) -> (i32, i32) {
    %c0_i32 = arith.constant 0 : i32
    %c0_i32_0 = arith.constant 0 : i32
    %c0_i32_1 = arith.constant 0 : i32
    return %c0_i32, %c0_i32_0 : i32, i32
  }
  func.func @transform_7(%arg0: i32) -> (i32, i32) {
    %c0_i32 = arith.constant 0 : i32
    %c0_i32_0 = arith.constant 0 : i32
    return %arg0, %c0_i32 : i32, i32
  }
  func.func @transform_8(%arg0: i32) -> (i32, i32) {
    %c0_i32 = arith.constant 0 : i32
    %c0_i32_0 = arith.constant 0 : i32
    return %arg0, %c0_i32 : i32, i32
  }
}

</mosaic_0001>

<sc_bundles>
// kernel: kernel.4.cloned.1.call-start
scs
__scs_entry_jumppad:
0x0: {  	(pc) =	sbr.rel $0x88, $3  }
0x1: {  	(tag) =	ssettag $0x0;
	lr =	simm.s32 $0x1  }
0x2: {  	[smem:$0x3F9B] =	sst lr;
	_ =	strace $0xD0000000  }
0x3: {  	_ = 	snop  }
0x4: {  	_ = 	snop  }
0x5: {  	_ = 	snop  }
0x6: {  	_ = 	snop  }
0x7: {  	_ = 	snop  }
__scs_overlays_trampoline_lowered:
0x8: {  	[smem:$0x3FAA] =	sst s0  }
0x9: {  	[smem:$0x3FAB] =	sst s1  }
0xa: {  	[smem:$0x3FAC] =	sst s2  }
0xb: {  	[smem:$0x3FAD] =	sst s3  }
0xc: {  	[smem:$0x3FAE] =	sst s4  }
0xd: {  	[smem:$0x3FAF] =	sst s5  }
0xe: {  	[smem:$0x3FB0] =	sst s6  }
0xf: {  	[smem:$0x3FB1] =	sst s7  }
0x10: {  	[smem:$0x3FB2] =	sst s8  }
0x11: {  	[smem:$0x3FB3] =	sst s9;
	s0 =	simm.s32 @!p0 $0x0  }
0x12: {  	s1 =	sld [smem:$0x3F99];
	s0 =	simm.s32 @p0 $0x1  }
0x13: {  	[smem:$0x3FB4] =	sst s0;
	s0 =	simm.s32 @!p1 $0x0  }
0x14: {  	s2 =	sld [smem:$0x3F98];
	s0 =	simm.s32 @p1 $0x1  }
0x15: {  	[smem:$0x3FB5] =	sst s0;
	s0 =	simm.s32 @!p2 $0x0  }
0x16: {  	s3 =	sld [smem:$0x3FDB];
	s0 =	simm.s32 @p2 $0x1  }
0x17: {  	s4 =	simm.s32 $0x1BF5;
	[smem:$0x3FB7] =	sst s0  }
0x18: {  	s0 =	sld [smem:$0x3F9A];
	_ =	swait.ge [sflag:s4], $0x0  }
0x19: {  	s7 =	sld [smem:$0x3F9B]  }
0x1a: {  	s8 =	sadd.s32 $0xFFFFE003, lr  }
0x1b: {  	s9 =	sadd.s32 $0xFFFFFEF7, lr;
	s5 =	simm.s32 $0xFFFFFFFF;
	p2 =	slt.u32 s8, $0xFFFFF086  }
0x1c: {  	p1 =	slt.u32 s9, $0xF7A;
	s5 =	simm.s32 @!p2 $0x0  }
0x1d: {  	s5 =	simm.s32 @p1 $0x1;
	p0 =	seq.s32 s7, s2  }
0x1e: {  	s7 =	smul.u32 @!p0 $0xF7A, s2;
	p2 =	seq.s32 @!p0 s5, $0x0  }
0x1f: {  	s9 =	smul.u32 $0xF7A, s1;
	s8 =	simm.s32 @!p0 $0x1BF5;
	p2 =	por !p2, p0  }
0x20: {  	[sflag:s8] =	ssyncset.s32 @!p0 $0xFFFFF086;
	s6 =	sadd.s32 @!p0 s3, s7;
	s7 =	simm.s32 @!p0 $0x108  }
0x21: {  	s3 =	sadd.s32 s3, s9;
	s6 =	sadd.s32 @!p0 $0x88, s6;
	s7 =	simm.s32 @p2 $0x1082  }
0x22: {  	[simem:s7], [sflag:s8] =	dma.local @!p0 [hbm:s6], $0xF7A  }
0x23: {  	s9 =	sor.u32 $0xD0000000, s2;
	s6 =	simm.s32 $0x108;
	_ =	swait.ge @!p0 [sflag:s8], $0x0  }
0x24: {  	s3 =	sadd.s32 $0x88, s3;
	s6 =	simm.s32 @!p1 $0x1082;
	[sflag:s4] =	ssyncset.s32 $0xFFFFF086  }
0x25: {  	[simem:s6], [sflag:s4] =	dma.local [hbm:s3], $0xF7A  }
0x26: {  	[smem:$0x3F9B] =	sst s1;
	(tag) =	ssettag s2;
	_ =	strace s9  }
0x27: {  	s1 =	sld [smem:$0x3FAB]  }
0x28: {  	s2 =	sld [smem:$0x3FAC]  }
0x29: {  	s4 =	sld [smem:$0x3FAE]  }
0x2a: {  	p0 =	seq.s32 s5, $0x0;
	s5 =	sld [smem:$0x3FAF]  }
0x2b: {  	s6 =	sld [smem:$0x3FB0]  }
0x2c: {  	s7 =	sld [smem:$0x3FB1]  }
0x2d: {  	s3 =	simm.s32 $0x108;
	s8 =	sld [smem:$0x3FB2]  }
0x2e: {  	s3 =	simm.s32 @!p0 $0x1082;
	s9 =	sld [smem:$0x3FB3]  }
0x2f: {  	lr =	sadd.s32 s0, s3;
	s0 =	sld [smem:$0x3FAA]  }
0x30: {  	s3 =	sld [smem:$0x3FAD]  }
0x31: {  	[smem:$0x3FB6] =	sst s10  }
0x32: {  	s10 =	sld [smem:$0x3FB4];
	_ =	sdelay $0x3  }
0x33: {  	p0 =	seq.s32 s10, $0x1;
	s10 =	sld [smem:$0x3FB6];
	_ =	sdelay $0x3  }
0x34: {  	[smem:$0x3FB6] =	sst s10  }
0x35: {  	s10 =	sld [smem:$0x3FB5];
	_ =	sdelay $0x3  }
0x36: {  	p1 =	seq.s32 s10, $0x1;
	s10 =	sld [smem:$0x3FB6];
	_ =	sdelay $0x3  }
0x37: {  	[smem:$0x3FB6] =	sst s10  }
0x38: {  	s10 =	sld [smem:$0x3FB7]  }
0x39: {  	_ = 	snop;
	(pc) =	sbr.ind lr, $3  }
0x3a: {  	_ = 	snop  }
0x3b: {  	_ = 	snop  }
0x3c: {  	p2 =	seq.s32 s10, $0x1;
	s10 =	sld [smem:$0x3FB6]  }
0x3d: {  	_ =	shalt  }
0x3e: {  	_ =	shalt  }
0x3f: {  	_ =	shalt  }
0x40: {  	_ =	shalt  }
0x41: {  	_ =	shalt  }
0x42: {  	_ =	shalt  }
0x43: {  	_ =	shalt  }
0x44: {  	_ =	shalt  }
0x45: {  	_ =	shalt  }
0x46: {  	_ =	shalt  }
0x47: {  	_ =	shalt  }
0x48: {  	_ =	shalt  }
0x49: {  	_ =	shalt  }
0x4a: {  	_ =	shalt  }
0x4b: {  	_ =	shalt  }
0x4c: {  	_ =	shalt  }
0x4d: {  	_ =	shalt  }
0x4e: {  	_ =	shalt  }
0x4f: {  	_ =	shalt  }
0x50: {  	_ =	shalt  }
0x51: {  	_ =	shalt  }
0x52: {  	_ =	shalt  }
0x53: {  	_ =	shalt  }
0x54: {  	_ =	shalt  }
0x55: {  	_ =	shalt  }
0x56: {  	_ =	shalt  }
0x57: {  	_ =	shalt  }
0x58: {  	_ =	shalt  }
0x59: {  	_ =	shalt  }
0x5a: {  	_ =	shalt  }
0x5b: {  	_ =	shalt  }
0x5c: {  	_ =	shalt  }
0x5d: {  	_ =	shalt  }
0x5e: {  	_ =	shalt  }
0x5f: {  	_ =	shalt  }
0x60: {  	_ =	shalt  }
0x61: {  	_ =	shalt  }
0x62: {  	_ =	shalt  }
0x63: {  	_ =	shalt  }
0x64: {  	_ =	shalt  }
0x65: {  	_ =	shalt  }
0x66: {  	_ =	shalt  }
0x67: {  	_ =	shalt  }
0x68: {  	_ =	shalt  }
0x69: {  	_ =	shalt  }
0x6a: {  	_ =	shalt  }
0x6b: {  	_ =	shalt  }
0x6c: {  	_ =	shalt  }
0x6d: {  	_ =	shalt  }
0x6e: {  	_ =	shalt  }
0x6f: {  	_ =	shalt  }
0x70: {  	_ =	shalt  }
0x71: {  	_ =	shalt  }
0x72: {  	_ =	shalt  }
0x73: {  	_ =	shalt  }
0x74: {  	_ =	shalt  }
0x75: {  	_ =	shalt  }
0x76: {  	_ =	shalt  }
0x77: {  	_ =	shalt  }
0x78: {  	_ =	shalt  }
0x79: {  	_ =	shalt  }
0x7a: {  	_ =	shalt  }
0x7b: {  	_ =	shalt  }
0x7c: {  	_ =	shalt  }
0x7d: {  	_ =	shalt  }
0x7e: {  	_ =	shalt  }
0x7f: {  	_ =	shalt  }
0x80: {  	_ =	shalt  }
0x81: {  	_ =	shalt  }
0x82: {  	_ =	shalt  }
0x83: {  	_ =	shalt  }
0x84: {  	_ =	shalt  }
0x85: {  	_ =	shalt  }
0x86: {  	_ =	shalt  }
0x87: {  	_ =	shalt  }
.Lfunc_end0:
.L_simem_size_0:
called_computation_lowered:
.L_overlay_start_0:
0x88: {  	s0 =	sld [smem:$0x3FD9]  }
0x89: {  	s1 =	sld [smem:$0x3FFE];
	_ =	sdelay $0x3  }
0x8a: {  	s0 =	sadd.s32 s1, s0  }
0x8b: {  	[smem:$0x3FC2] =	sst s0  }
0x8c: {  	_ = 	snop  }
0x8d: {  	s0 =	sld [smem:$0x3FD0];
	_ =	sdelay $0x2  }
0x8e: {  	s2 =	simm.s32 $0xA;
	s3 =	simm.s32 $0x10;
	s14 =	sld [smem:$0x3FC4]  }
0x8f: {  	[smem:s3], [sflag:s2] =	dma.local [hbm:s0], $0x1  }
0x90: {  	_ =	swait.eq [sflag:s2], $0x1  }
0x91: {  	[sflag:s2] =	ssyncset.done $0x0  }
0x92: {  	s15 =	sld [smem:$0x10];
	[sflag:s2] =	ssyncadd.s32 $0xFFFFFFFF  }
0x93: {  	s16 =	sld [smem:$0x13];
	(tm) =	ssettm $0x1  }
0x94: {  	s17 =	sld [smem:$0x3FFB];
	_ =	sdelay $0x3  }
0x95: {  	_ =	strace s17  }
0x96: {  	s3 =	sld [smem:$0x3FFC];
	_ =	sdelay $0x3  }
0x97: {  	_ =	strace s3  }
0x98: {  	s3 =	sld [smem:$0x3FFD];
	_ =	sdelay $0x3  }
0x99: {  	_ =	strace s3  }
0x9a: {  	_ =	strace $0x8FFFFFFF  }
0x9b: {  	s18 =	sld [smem:$0x3FDB];
	_ =	sdelay $0x1  }
0x9c: {  	s4 =	simm.s32 $_scs_section_size  }
0x9d: {  	s5 =	simm.s32 $_size__tile_overlayer_lowered;
	s6 =	simm.s32 $_tile_overlayer_lowered  }
0x9e: {  	s21 =	simm.s32 $0x1BFF;
	s20 =	sshll.u32 s6, $0x1;
	s3 =	sadd.s32 s4, s18  }
0x9f: {  	s7 =	simm.s32 $0x0;
	s19 =	sshll.u32 s5, $0x1;
	s5 =	sadd.s32 s20, s3  }
0xa0: {  	[timem:s7], [sflag:s21] =	dma.local [hbm:s5], s19  }
0xa1: {  	_ =	swait.ge [sflag:s21], s19  }
0xa2: {  	s4 =	ssub.s32 $0x0, s19;
	[sflag:s21] =	ssyncset.done $0x0  }
0xa3: {  	[sflag:s21] =	ssyncadd.s32 s4;
	_ =	sdelay $0x1  }
0xa4: {  	s22 =	simm.s32 $0x1B8B  }
0xa5: {  	_ =	swait.ge [sflag:s22], $0x1  }
0xa6: {  	[sflag:s22] =	ssyncset.done $0x0  }
0xa7: {  	s23 =	simm.s32 $0x1B8E;
	[sflag:s22] =	ssyncadd.s32 $0xFFFFFFFF  }
0xa8: {  	s24 =	simm.s32 $execute0_lowered;
	[smem:$0x3FD2] =	sst s23  }
0xa9: {  	s4 =	sshll.u32 s24, $0x1;
	_ =	strace $0x80000046;
	[dreg:$0x1] =	wrdreg $0xFFFFFFFF  }
0xaa: {  	s25 =	simm.s32 $_size_execute0_lowered;
	s3 =	sadd.s32 s3, s4;
	[dreg:$0x0] =	wrdreg $0x0  }
0xab: {  	s4 =	sshll.u32 s25, $0x1;
	[dreg:$0x2] =	wrdreg s3  }
0xac: {  	[dreg:$0x3] =	wrdreg s4  }
0xad: {  	[dreg:$0x4] =	wrdreg $0xC0  }
0xae: {  	_ =	task [dreg:s7], $0x5FFFF  }
0xaf: {  	[dreg:$0x1] =	wrdreg $0xFFFFFFFF  }
0xb0: {  	[dreg:$0x0] =	wrdreg $0x60  }
0xb1: {  	[dreg:$0x2] =	wrdreg s14  }
0xb2: {  	[dreg:$0x3] =	wrdreg s16  }
0xb3: {  	[dreg:$0x4] =	wrdreg s15  }
0xb4: {  	[dreg:$0x5] =	wrdreg $0x21000  }
0xb5: {  	[dreg:$0x6] =	wrdreg $0x21100  }
0xb6: {  	[dreg:$0x7] =	wrdreg $0x9  }
0xb7: {  	_ =	task.clear_ibuf [dreg:s7], $0x8FFFF;
	_ =	strace $0x90000046  }
0xb8: {  	s26 =	simm.s32 $0x9;
	_ =	strace $0x80000048  }
0xb9: {  	_ =	swait.ge [sflag:s26], $0x1  }
0xba: {  	[sflag:s26] =	ssyncadd.s32 $0xFFFFFFFF  }
0xbb: {  	_ =	strace $0x90000048  }
0xbc: {  	_ =	sfence  }
0xbd: {  	s28 =	sld [smem:$0x0];
	_ =	sdelay $0x1  }
0xbe: {  	s29 =	srdreg.scid  }
0xbf: {  	s30 =	sshll.u32 s29, $0xD;
	s31 =	sshrl.u32 s29, $0x2  }
0xc0: {  	s1 =	sand.u32 $0x1, s29;
	s2 =	sand.u32 $0x4000, s30;
	s0 =	sadd.s32 s31, s28  }
0xc1: {  	s1 =	sor.u32 s2, s1;
	s0 =	sshll.u32 s0, $0x11  }
0xc2: {  	s0 =	sor.u32 s0, s1  }
0xc3: {  	s0 =	sadd.s32 $0x8F2B, s0  }
0xc4: {  	[sflag:s0] =	ssyncadd.remote.s32 $0x1  }
0xc5: {  	_ =	sfence.sel $0xFFFF  }
0xc6: {  	[dreg:$0x0] =	wrdreg $0xFFFFFFFF;
	(pc) =	sbr.abs _section_cstart, $3  }
0xc7: {  	[dreg:$0x1] =	wrdreg $0xFFFFFFFF  }
0xc8: {  	_ =	task.clear_ibuf [dreg:s7], $0x2FFFF;
	_ =	strace $0x9FFFFFFF  }
0xc9: {  	(tm) =	ssettm $0x7FFFFFFF  }
tec
execute0_lowered:
.L_overlay_start_1:
0x0: {  	(tag) =	ssettag $0x1  }
0x1: {  	s5 =	rddreg [dreg:$0x0]  }
0x2: {  	s3 =	rddreg [dreg:$0x1]  }
0x3: {  	s1 =	rddreg [dreg:$0x2]  }
0x4: {  	s7 =	rddreg [dreg:$0x3]  }
0x5: {  	s6 =	rddreg [dreg:$0x4]  }
0x6: {  	s0 =	rddreg [dreg:$0x5];
	s8 =	simm.s32 $0x0;
	s2 =	stileid.u32  }
0x7: {  	[smem:$0x7FF] =	sst s8;
	s4 =	sshll.u32 s2, $0x9  }
0x8: {  	s30 =	simm.s32 $0x1;
	_ =	strace $0x80000047;
	s5 =	sadd.s32 s5, s4  }
0x9: {  	[tilespmem:s8], [sflag:$0x1] =	stream.linear.gather [hbm4b:s5+s8], $0x1000, $0x38;
	[tilespmem:$0x23A0] =	vst v63  }
0xa: {  	_ =	swait.ge [sflag:s30], $0x1000  }
0xb: {  	[sflag:s30] =	ssyncset.done $0x0  }
0xc: {  	s31 =	simm.s32 $0x0;
	[sflag:s30] =	ssyncadd.s32 $0xFFFFF000  }
0xd: {  	v3 =	vld [tilespmem:s31+$0x0];
	_ =	sdelay $0x2  }
0xe: {  	s5 =	sshll.u32 s2, $0xC  }
0xf: {  	v0 =	vimm.f32 $+Inf;
	v1 =	vimm.s32 $0x0;
	v2 =	vlaneseq.u32;
	s9 =	simm.s32 $0x40;
	s8 =	smov.u32 s5  }
.LBB2_1:
0x10: {  	s10 =	sshra.s32 s9, $0x2;
	p0 =	sne.s32 s9, $0x3FC0;
	s9 =	sadd.s32 $0x40, s9;
	v4 =	vor.u32 s8, v2;
	vm0 =	vlt.f32 v3, v0  }
.Ltmp0:
0x11: {  	v0 =	vsel vm0, v3, v0;
	v3 =	vld [tilespmem:s10+$0x0];
	v1 =	vsel vm0, v4, v1;
	(pc) =	sbr.rel @p0 .LBB2_1-.Ltmp0, $2  }
0x12: {  	_ =	sdelay $0x2  }
0x13: {  	s8 =	sadd.s32 $0x10, s8  }
0x14: {  	vm0 =	vlt.f32 v3, v0  }
0x15: {  	v2 =	vor.u32 s8, v2;
	v0 =	vsel vm0, v3, v0  }
0x16: {  	s25 =	sshll.u32 s2, $0x4;
	v1 =	vsel vm0, v2, v1;
	[tilespmem:$0x2000] =	vst v0  }
0x17: {  	s10 =	simm.s32 $0x2000;
	s26 =	simm.s32 $0x1;
	s9 =	sadd.s32 s25, s7;
	[tilespmem:$0x2080] =	vst v1  }
0x18: {  	[spmem:s9] =	stream.linear.scatter [tilespmem:s10], [sflag:$0x1], $0x10, $0x38;
	[tilespmem:$0x23A0] =	vst v63  }
0x19: {  	_ =	swait.ge [sflag:s26], $0x10  }
0x1a: {  	[sflag:s26] =	ssyncset.done $0x0  }
0x1b: {  	s28 =	simm.s32 $0x2080;
	s8 =	sadd.s32 s25, s6;
	[sflag:s26] =	ssyncadd.s32 $0xFFFFFFF0  }
0x1c: {  	[spmem:s8] =	stream.linear.scatter [tilespmem:s28], [sflag:$0x1], $0x10, $0x38;
	[tilespmem:$0x23A0] =	vst v63  }
0x1d: {  	_ =	swait.ge [sflag:s26], $0x10  }
0x1e: {  	[sflag:s26] =	ssyncset.done $0x0  }
0x1f: {  	[sflag:s26] =	ssyncadd.s32 $0xFFFFFFF0  }
0x20: {  	s29 =	simm.s32 $0x2120;
	[bflag:$0x0] =	sbarrier.arrive $0xFFFF  }
0x21: {  	[tilespmem:s29], [sflag:$0x1] =	stream.linear.gather [spmem:s7], $0x100, $0x38;
	[tilespmem:$0x23A0] =	vst v63  }
0x22: {  	_ =	swait.ge [sflag:s26], $0x100  }
0x23: {  	[sflag:s26] =	ssyncset.done $0x0  }
0x24: {  	s30 =	simm.s32 $0x2220;
	[sflag:s26] =	ssyncadd.s32 $0xFFFFFF00  }
0x25: {  	[tilespmem:s30], [sflag:$0x1] =	stream.linear.gather [spmem:s6], $0x100, $0x38;
	[tilespmem:$0x23A0] =	vst v63  }
0x26: {  	_ =	swait.ge [sflag:s26], $0x100  }
0x27: {  	[sflag:s26] =	ssyncset.done $0x0  }
0x28: {  	[sflag:s26] =	ssyncadd.s32 $0xFFFFFF00  }
0x29: {  	v0 =	vld [tilespmem:$0x2120];
	_ =	sdelay $0x2  }
0x2a: {  	v1 =	vld [tilespmem:$0x2130]  }
0x2b: {  	v2 =	vld [tilespmem:$0x2220]  }
0x2c: {  	v3 =	vld [tilespmem:$0x2140];
	vm14 =	vlt.f32 v0, $+Inf;
	vm1 =	vgt.f32 v0, $+Inf  }
0x2d: {  	v4 =	vld [tilespmem:$0x2230];
	vm0 =	vmor vm1, vm14  }
0x2e: {  	v5 =	vld [tilespmem:$0x2150];
	v0 =	vnsel vm0, $0x7F800000, v0  }
0x2f: {  	v6 =	vld [tilespmem:$0x2240];
	vm15 =	vlt.f32 v1, v0  }
0x30: {  	v0 =	vsel vm15, v1, v0;
	v1 =	vld [tilespmem:$0x2160]  }
0x31: {  	v7 =	vld [tilespmem:$0x2250];
	vm2 =	vlt.f32 v3, v0  }
0x32: {  	v0 =	vsel vm2, v3, v0;
	v3 =	vld [tilespmem:$0x2170]  }
0x33: {  	v8 =	vld [tilespmem:$0x2260];
	vm3 =	vlt.f32 v5, v0  }
0x34: {  	v54 =	vld [tilespmem:$0x2180];
	v0 =	vsel vm3, v5, v0  }
0x35: {  	v9 =	vld [tilespmem:$0x2270];
	vm4 =	vlt.f32 v1, v0  }
0x36: {  	v0 =	vsel vm4, v1, v0;
	v1 =	vld [tilespmem:$0x2190]  }
0x37: {  	v10 =	vld [tilespmem:$0x2280];
	vm5 =	vlt.f32 v3, v0  }
0x38: {  	v0 =	vsel vm5, v3, v0;
	v3 =	vld [tilespmem:$0x21A0]  }
0x39: {  	v11 =	vld [tilespmem:$0x2290];
	vm6 =	vlt.f32 v54, v0  }
0x3a: {  	v55 =	vld [tilespmem:$0x21B0];
	v0 =	vsel vm6, v54, v0  }
0x3b: {  	v12 =	vld [tilespmem:$0x22A0];
	vm7 =	vlt.f32 v1, v0  }
0x3c: {  	v0 =	vsel vm7, v1, v0;
	v1 =	vld [tilespmem:$0x21C0]  }
0x3d: {  	v13 =	vld [tilespmem:$0x22B0];
	vm8 =	vlt.f32 v3, v0  }
0x3e: {  	v2 =	vnsel vm0, $0x0, v2;
	v0 =	vsel vm8, v3, v0;
	v3 =	vld [tilespmem:$0x21D0]  }
0x3f: {  	v56 =	vld [tilespmem:$0x22C0];
	v2 =	vsel vm15, v4, v2;
	vm9 =	vlt.f32 v55, v0  }
0x40: {  	v57 =	vld [tilespmem:$0x21E0];
	v2 =	vsel vm2, v6, v2;
	v0 =	vsel vm9, v55, v0  }
0x41: {  	v58 =	vld [tilespmem:$0x22D0];
	v2 =	vsel vm3, v7, v2;
	vm10 =	vlt.f32 v1, v0  }
0x42: {  	v2 =	vsel vm4, v8, v2;
	v0 =	vsel vm10, v1, v0;
	v1 =	vld [tilespmem:$0x21F0]  }
0x43: {  	v59 =	vld [tilespmem:$0x22E0];
	v2 =	vsel vm5, v9, v2;
	vm11 =	vlt.f32 v3, v0  }
0x44: {  	v2 =	vsel vm6, v10, v2;
	v0 =	vsel vm11, v3, v0;
	v3 =	vld [tilespmem:$0x2200]  }
0x45: {  	v60 =	vld [tilespmem:$0x22F0];
	v2 =	vsel vm7, v11, v2;
	vm12 =	vlt.f32 v57, v0  }
0x46: {  	v61 =	vld [tilespmem:$0x2210];
	v2 =	vsel vm8, v12, v2;
	v0 =	vsel vm12, v57, v0  }
0x47: {  	v62 =	vld [tilespmem:$0x2300];
	v2 =	vsel vm9, v13, v2;
	vm13 =	vlt.f32 v1, v0  }
0x48: {  	v2 =	vsel vm10, v56, v2;
	v0 =	vsel vm13, v1, v0  }
0x49: {  	v1 =	vsel vm11, v58, v2;
	vm14 =	vlt.f32 v3, v0  }
0x4a: {  	v63 =	vld [tilespmem:$0x2310];
	v1 =	vsel vm12, v59, v1;
	v0 =	vsel vm14, v3, v0  }
0x4b: {  	v1 =	vsel vm13, v60, v1;
	vm15 =	vlt.f32 v61, v0  }
0x4c: {  	v2 =	vsel vm14, v62, v1;
	v1 =	vsel vm15, v61, v0  }
0x4d: {  	(v2sf) =	vpush v1, $0x0;
	_ =	sdelay $0x1  }
0x4e: {  	v0 =	vsel vm15, v63, v2  }
0x4f: {  	(v2sf) =	vpush v0, $0x0;
	_ =	sdelay $0x2  }
0x50: {  	(v2sf) =	vpush v1, $0x1;
	_ =	sdelay $0x2  }
0x51: {  	(v2sf) =	vpush v0, $0x1;
	_ =	sdelay $0x4  }
0x52: {  	(v2sf) =	vpush v1, $0x2  }
0x53: {  	s7 =	spop (v2sf);
	(v2sf) =	vpush v0, $0x2;
	_ =	sdelay $0x2  }
0x54: {  	s6 =	spop (v2sf);
	p0 =	seq.f32 s7, $+Inf  }
0x55: {  	p1 =	sne.s32 s6, $0x7FFFFFFF  }
0x56: {  	p2 =	slt.f32 s7, $+Inf;
	(v2sf) =	vpush v1, $0x3;
	p0 =	por !p0, !p1  }
0x57: {  	s8 =	spop (v2sf);
	(v2sf) =	vpush v0, $0x3;
	p0 =	por !p0, !p0  }
0x58: {  	p0 =	por p2, p0  }
0x59: {  	s7 =	simm.s32 @!p0 $0x7F800000  }
0x5a: {  	s9 =	spop (v2sf);
	s6 =	simm.s32 @!p0 $0x7FFFFFFF;
	p1 =	seq.f32 s8, s7  }
0x5b: {  	p2 =	slt.s32 s9, s6  }
0x5c: {  	(v2sf) =	vpush v1, $0x4;
	p3 =	slt.f32 s8, s7;
	p0 =	por !p1, !p2  }
0x5d: {  	p0 =	por !p0, !p0  }
0x5e: {  	p0 =	por p3, p0  }
0x5f: {  	s7 =	smov.u32 @p0 s8;
	s8 =	spop (v2sf);
	(v2sf) =	vpush v0, $0x4  }
0x60: {  	s6 =	smov.u32 @p0 s9;
	p4 =	seq.f32 s8, s7;
	s9 =	spop (v2sf)  }
0x61: {  	p5 =	slt.s32 s9, s6  }
0x62: {  	p6 =	slt.f32 s8, s7;
	p0 =	por !p4, !p5  }
0x63: {  	p0 =	por !p0, !p0  }
0x64: {  	(v2sf) =	vpush v1, $0x5;
	p0 =	por p6, p0  }
0x65: {  	s7 =	smov.u32 @p0 s8;
	s8 =	spop (v2sf);
	(v2sf) =	vpush v0, $0x5  }
0x66: {  	s6 =	smov.u32 @p0 s9;
	s9 =	spop (v2sf);
	p1 =	seq.f32 s8, s7  }
0x67: {  	p2 =	slt.s32 s9, s6  }
0x68: {  	p3 =	slt.f32 s8, s7;
	p0 =	por !p1, !p2  }
0x69: {  	p0 =	por !p0, !p0  }
0x6a: {  	(v2sf) =	vpush v1, $0x6;
	p0 =	por p3, p0  }
0x6b: {  	s7 =	smov.u32 @p0 s8;
	s8 =	spop (v2sf);
	(v2sf) =	vpush v0, $0x6;
	_ =	sdelay $0x2  }
0x6c: {  	s6 =	smov.u32 @p0 s9;
	s9 =	spop (v2sf);
	p4 =	seq.f32 s8, s7  }
0x6d: {  	p5 =	slt.s32 s9, s6  }
0x6e: {  	p6 =	slt.f32 s8, s7;
	(v2sf) =	vpush v1, $0x7;
	p0 =	por !p4, !p5  }
0x6f: {  	p0 =	por !p0, !p0  }
0x70: {  	p0 =	por p6, p0  }
0x71: {  	s7 =	smov.u32 @p0 s8;
	s8 =	spop (v2sf);
	(v2sf) =	vpush v0, $0x7  }
0x72: {  	s6 =	smov.u32 @p0 s9;
	p1 =	seq.f32 s8, s7;
	s9 =	spop (v2sf)  }
0x73: {  	p2 =	slt.s32 s9, s6  }
0x74: {  	p3 =	slt.f32 s8, s7;
	p0 =	por !p1, !p2  }
0x75: {  	p0 =	por !p0, !p0  }
0x76: {  	(v2sf) =	vpush v1, $0x8;
	p0 =	por p3, p0  }
0x77: {  	s7 =	smov.u32 @p0 s8;
	s8 =	spop (v2sf);
	(v2sf) =	vpush v0, $0x8  }
0x78: {  	s6 =	smov.u32 @p0 s9;
	s9 =	spop (v2sf);
	p4 =	seq.f32 s8, s7  }
0x79: {  	p5 =	slt.s32 s9, s6  }
0x7a: {  	p6 =	slt.f32 s8, s7;
	p0 =	por !p4, !p5  }
0x7b: {  	p0 =	por !p0, !p0  }
0x7c: {  	(v2sf) =	vpush v1, $0x9;
	p0 =	por p6, p0  }
0x7d: {  	s7 =	smov.u32 @p0 s8;
	s8 =	spop (v2sf);
	(v2sf) =	vpush v0, $0x9;
	_ =	sdelay $0x2  }
0x7e: {  	s6 =	smov.u32 @p0 s9;
	s9 =	spop (v2sf);
	p1 =	seq.f32 s8, s7  }
0x7f: {  	p2 =	slt.s32 s9, s6  }
0x80: {  	p3 =	slt.f32 s8, s7;
	(v2sf) =	vpush v1, $0xA;
	p0 =	por !p1, !p2  }
0x81: {  	p0 =	por !p0, !p0  }
0x82: {  	p0 =	por p3, p0  }
0x83: {  	s7 =	smov.u32 @p0 s8;
	s8 =	spop (v2sf);
	(v2sf) =	vpush v0, $0xA  }
0x84: {  	s6 =	smov.u32 @p0 s9;
	p4 =	seq.f32 s8, s7;
	s9 =	spop (v2sf)  }
0x85: {  	p5 =	slt.s32 s9, s6  }
0x86: {  	p6 =	slt.f32 s8, s7;
	p0 =	por !p4, !p5  }
0x87: {  	p0 =	por !p0, !p0  }
0x88: {  	(v2sf) =	vpush v1, $0xB;
	p0 =	por p6, p0  }
0x89: {  	s7 =	smov.u32 @p0 s8;
	s8 =	spop (v2sf);
	(v2sf) =	vpush v0, $0xB  }
0x8a: {  	s6 =	smov.u32 @p0 s9;
	s9 =	spop (v2sf);
	p1 =	seq.f32 s8, s7  }
0x8b: {  	p2 =	slt.s32 s9, s6  }
0x8c: {  	p3 =	slt.f32 s8, s7;
	p0 =	por !p1, !p2  }
0x8d: {  	p0 =	por !p0, !p0  }
0x8e: {  	(v2sf) =	vpush v1, $0xC;
	p0 =	por p3, p0  }
0x8f: {  	s7 =	smov.u32 @p0 s8;
	s8 =	spop (v2sf);
	(v2sf) =	vpush v0, $0xC;
	_ =	sdelay $0x2  }
0x90: {  	s6 =	smov.u32 @p0 s9;
	s9 =	spop (v2sf);
	p4 =	seq.f32 s8, s7  }
0x91: {  	p5 =	slt.s32 s9, s6  }
0x92: {  	p6 =	slt.f32 s8, s7;
	(v2sf) =	vpush v1, $0xD;
	p0 =	por !p4, !p5  }
0x93: {  	(v2sf) =	vpush v0, $0xD;
	p0 =	por !p0, !p0  }
0x94: {  	p0 =	por p6, p0  }
0x95: {  	s7 =	smov.u32 @p0 s8;
	s8 =	spop (v2sf)  }
0x96: {  	s6 =	smov.u32 @p0 s9;
	p1 =	seq.f32 s8, s7;
	s9 =	spop (v2sf)  }
0x97: {  	p2 =	slt.s32 s9, s6  }
0x98: {  	(v2sf) =	vpush v1, $0xE;
	p3 =	slt.f32 s8, s7;
	p0 =	por !p1, !p2  }
0x99: {  	(v2sf) =	vpush v0, $0xE;
	p0 =	por !p0, !p0  }
0x9a: {  	p0 =	por p3, p0  }
0x9b: {  	s7 =	smov.u32 @p0 s8;
	s8 =	spop (v2sf)  }
0x9c: {  	s6 =	smov.u32 @p0 s9;
	s9 =	spop (v2sf);
	p4 =	seq.f32 s8, s7  }
0x9d: {  	(v2sf) =	vpush v1, $0xF;
	p5 =	slt.s32 s9, s6  }
0x9e: {  	p6 =	slt.f32 s8, s7;
	(v2sf) =	vpush v0, $0xF;
	p0 =	por !p4, !p5  }
0x9f: {  	p0 =	por !p0, !p0  }
0xa0: {  	p0 =	por p6, p0  }
0xa1: {  	s10 =	spop (v2sf);
	s7 =	smov.u32 @p0 s8  }
0xa2: {  	s8 =	spop (v2sf);
	s6 =	smov.u32 @p0 s9;
	p1 =	seq.f32 s10, s7  }
0xa3: {  	p2 =	slt.s32 s8, s6  }
0xa4: {  	p3 =	slt.f32 s10, s7;
	p0 =	por !p1, !p2  }
0xa5: {  	p0 =	por !p0, !p0  }
0xa6: {  	p0 =	por p3, p0  }
0xa7: {  	s9 =	spop (v2sf);
	s7 =	smov.u32 @p0 s10  }
0xa8: {  	s10 =	spop (v2sf);
	s6 =	smov.u32 @p0 s8;
	p4 =	seq.f32 s9, s7  }
0xa9: {  	p5 =	slt.s32 s10, s6  }
0xaa: {  	p6 =	slt.f32 s9, s7;
	p0 =	por !p4, !p5  }
0xab: {  	p0 =	por !p0, !p0  }
0xac: {  	s31 =	spop (v2sf);
	p0 =	por p6, p0  }
0xad: {  	s7 =	smov.u32 @p0 s9;
	s6 =	smov.u32 @p0 s10;
	s9 =	spop (v2sf)  }
0xae: {  	p0 =	seq.f32 s31, s7;
	p2 =	slt.f32 s31, s7;
	s7 =	simm.s32 $0x0  }
0xaf: {  	p1 =	slt.s32 s9, s6;
	s10 =	smov.u32 s6;
	v2 =	vld [tilespmem:s7+$0x0]  }
0xb0: {  	s10 =	smov.u32 @p1 s9  }
0xb1: {  	s6 =	smov.u32 @p0 s10  }
0xb2: {  	s6 =	smov.u32 @p2 s9  }
0xb3: {  	v1 =	vlaneseq.u32;
	v0 =	vmov s6;
	s6 =	simm.s32 $0x40  }
.LBB2_3:
0xb4: {  	s8 =	sshra.s32 s6, $0x2;
	p0 =	sne.s32 s6, $0x3FC0;
	s6 =	sadd.s32 $0x40, s6;
	v3 =	vor.u32 s5, v1;
	v4 =	vmul.f32 $9.900000090e-01, v2  }
.Ltmp1:
0xb5: {  	v2 =	vld [tilespmem:s8+$0x0];
	vm0 =	veq.s32 v3, v0;
	(pc) =	sbr.rel @p0 .LBB2_3-.Ltmp1, $3  }
0xb6: {  	v3 =	vsel vm0, $0x3F7D70A4, v4  }
0xb7: {  	[tilespmem:s7+$0x1000] =	vst v3;
	s7 =	smov.u32 s8;
	_ =	sdelay $0x1  }
0xb8: {  	s5 =	sadd.s32 $0x10, s5  }
0xb9: {  	v1 =	vor.u32 s5, v1;
	v2 =	vmul.f32 $9.900000090e-01, v2  }
0xba: {  	vm0 =	veq.s32 v1, v0  }
0xbb: {  	s3 =	sadd.s32 s3, s4;
	v1 =	vsel vm0, $0x3F7D70A4, v2  }
0xbc: {  	s29 =	simm.s32 $0x0;
	s30 =	simm.s32 $0x1000;
	s31 =	simm.s32 $0x1;
	[tilespmem:s7+$0x1000] =	vst v1  }
0xbd: {  	[hbm4b:s3+s29] =	stream.linear.scatter [tilespmem:s30], [sflag:$0x1], $0x1000, $0x38;
	[tilespmem:$0x23A0] =	vst v63  }
0xbe: {  	_ =	swait.ge [sflag:s31], $0x1000  }
0xbf: {  	[sflag:s31] =	ssyncset.done $0x0  }
0xc0: {  	p0 =	sne.s32 s2, $0x0;
	[sflag:s31] =	ssyncadd.s32 $0xFFFFF000  }
0xc1: {  	_ =	sfence.sel @p0 $0x180000  }
0xc2: {  	[bflag:$0x0] =	sbarrier.arrive @p0 $0xFFFF  }
0xc3: {  	_ =	strace @p0 $0x90000047  }
0xc4: {  	[bflag:$0x2] =	sbarrier.arrive @p0 $0xFFFF  }
0xc5: {  	s2 =	simm.s32 @!p0 $0x0;
	s3 =	simm.s32 @!p0 $0x2320;
	[tilespmem:$0x2320] =	vst @!p0 v0  }
0xc6: {  	[hbm4b:s1+s2] =	stream.linear.scatter @!p0 [tilespmem:s3], [sflag:$0x1], $0x80, $0x38;
	[tilespmem:$0x23A0] =	vst v63  }
0xc7: {  	s1 =	simm.s32 @!p0 $0x1  }
0xc8: {  	_ =	swait.ge @!p0 [sflag:s1], $0x80  }
0xc9: {  	[sflag:s1] =	ssyncset.done @!p0 $0x0  }
0xca: {  	[sflag:s1] =	ssyncadd.s32 @!p0 $0xFFFFFF80  }
0xcb: {  	_ =	sfence.sel @!p0 $0x180000  }
0xcc: {  	[bflag:$0x0] =	sbarrier.arrive @!p0 $0xFFFF  }
0xcd: {  	_ =	strace @!p0 $0x90000047  }
0xce: {  	s0 =	sadd.s32 @!p0 $0x100000, s0;
	[bflag:$0x2] =	sbarrier.arrive @!p0 $0xFFFF  }
0xcf: {  	[sflag:s0] =	ssyncadd.tile.s32 @!p0 $0x1;
	_ =	shalt  }
.Lfunc_end2:
_tile_overlayer_lowered:
.L_overlay_start_2:
0xd0: {  	(tag) =	ssettag $0x2  }
0xd1: {  	s0 =	rddreg [dreg:$0x0];
	s2 =	stileid.u32  }
0xd2: {  	s1 =	rddreg [dreg:$0x1];
	p0 =	sne.s32 s2, $0x0  }
0xd3: {  	s3 =	rddreg [dreg:$0x2];
	[bflag:$0x3] =	sbarrier.arrive $0xFFFF;
	s2 =	simm.s32 @!p0 $0x1C01  }
0xd4: {  	[timem:s3], [sflag:s2] =	dma.local @!p0 [hbm:s0], s1  }
0xd5: {  	s0 =	simm.s32 @!p0 $0x1  }
0xd6: {  	_ =	swait.ge @!p0 [sflag:s0], s1  }
0xd7: {  	s1 =	ssub.s32 @!p0 $0x0, s1;
	[sflag:s0] =	ssyncset.done @!p0 $0x0  }
0xd8: {  	[sflag:s0] =	ssyncadd.s32 @!p0 s1  }
0xd9: {  	[bflag:$0x3] =	sbarrier.arrive $0xFFFF  }
0xda: {  	_ =	shalt  }

</sc_bundles>
